<compile_context>
chip_gen: v7x
topology: tpu7x:2x2x1
jax: 0.10.2.dev20260603
libtpu: 0.0.44.dev20260713+nightly
codegen_flags: <defaults>
</compile_context>

<pallas_src>
import functools

import jax
import jax.numpy as jnp
from jax import lax
from jax.experimental import pallas as pl
from jax.experimental.pallas import tpu as pltpu
from jax.experimental.pallas import tpu_sc as plsc

N = 10000
D = 128
E = 320000
G = 64

BN = 1000
NB = N // BN

NC = 2
NS = 16
NW = NC * NS
EPT = E // NW
CH = 128
NCH = 80
PAD = NCH * CH - EPT
NPAD = N + 8
ZR = 632
ZL = N - (NS - 1) * ZR



def _mm_body(x_ref, w_ref, o_ref):
    o_ref[...] = jnp.dot(x_ref[...], w_ref[...],
                         preferred_element_type=jnp.float32)


def _mm(x, w):
    return pl.pallas_call(
        _mm_body,
        grid=(NB,),
        in_specs=[pl.BlockSpec((BN, D), lambda i: (i, 0)),
                  pl.BlockSpec((D, D), lambda i: (0, 0))],
        out_specs=pl.BlockSpec((BN, D), lambda i: (i, 0)),
        out_shape=jax.ShapeDtypeStruct((N, D), jnp.float32),
    )(x, w)


def _layer2_body(a_ref, b_ref, w_ref, o_ref):
    h = jnp.maximum(a_ref[0] + a_ref[1] + b_ref[...], 0.0)
    o_ref[...] = jnp.dot(h, w_ref[...], preferred_element_type=jnp.float32)


def _layer2(a, b, w):
    return pl.pallas_call(
        _layer2_body,
        grid=(NB,),
        in_specs=[pl.BlockSpec((NC, BN, D), lambda i: (0, i, 0)),
                  pl.BlockSpec((1, D), lambda i: (0, 0)),
                  pl.BlockSpec((D, D), lambda i: (0, 0))],
        out_specs=pl.BlockSpec((BN, D), lambda i: (i, 0)),
        out_shape=jax.ShapeDtypeStruct((N, D), jnp.float32),
    )(a, b, w)


def _head_body(a_ref, b2_ref, bt_ref, l1w, l1b, g1, be1, l2w, l2b, g2, be2,
               o_ref, sums, cnts):
    i = pl.program_id(0)

    @pl.when(i == 0)
    def _():
        sums[...] = jnp.zeros_like(sums)
        cnts[...] = jnp.zeros_like(cnts)

    h = jnp.maximum(a_ref[0] + a_ref[1] + b2_ref[...], 0.0)
    bt = bt_ref[0]
    gid = lax.broadcasted_iota(jnp.int32, (G, BN), 0)
    ohT = (gid == bt).astype(jnp.float32)
    dn = (((1,), (0,)), ((), ()))
    sums[...] += lax.dot_general(ohT, h, dn,
                                 preferred_element_type=jnp.float32, precision=lax.Precision.HIGHEST)
    cnts[...] += lax.dot_general(ohT, jnp.ones((BN, D), jnp.float32), dn,
                                 preferred_element_type=jnp.float32, precision=lax.Precision.HIGHEST)

    @pl.when(i == NB - 1)
    def _():
        pooled = sums[...] / jnp.maximum(cnts[...], 1.0)
        dnT = (((1,), (1,)), ((), ()))
        z = lax.dot_general(pooled, l1w[...], dnT,
                            preferred_element_type=jnp.float32) + l1b[...]
        z = jnp.maximum(z, 0.0)
        mu = jnp.mean(z, axis=0, keepdims=True)
        var = jnp.mean((z - mu) ** 2, axis=0, keepdims=True)
        z = (z - mu) * lax.rsqrt(var + 1e-5) * g1[...] + be1[...]
        z = lax.dot_general(z, l2w[...], dnT,
                            preferred_element_type=jnp.float32) + l2b[...]
        z = jnp.maximum(z, 0.0)
        mu = jnp.mean(z, axis=0, keepdims=True)
        var = jnp.mean((z - mu) ** 2, axis=0, keepdims=True)
        z = (z - mu) * lax.rsqrt(var + 1e-5) * g2[...] + be2[...]
        mx = jnp.max(z, axis=1, keepdims=True)
        z = z - mx
        o_ref[...] = z - jnp.log(jnp.sum(jnp.exp(z), axis=1, keepdims=True))


def _head(a, b2, bt, l1w, l1b, g1, be1, l2w, l2b, g2, be2):
    H1 = l1w.shape[0]
    H2 = l2w.shape[0]
    return pl.pallas_call(
        _head_body,
        grid=(NB,),
        in_specs=[pl.BlockSpec((NC, BN, D), lambda i: (0, i, 0)),
                  pl.BlockSpec((1, D), lambda i: (0, 0)),
                  pl.BlockSpec((1, 1, BN), lambda i: (i, 0, 0)),
                  pl.BlockSpec((H1, D), lambda i: (0, 0)),
                  pl.BlockSpec((1, H1), lambda i: (0, 0)),
                  pl.BlockSpec((1, H1), lambda i: (0, 0)),
                  pl.BlockSpec((1, H1), lambda i: (0, 0)),
                  pl.BlockSpec((H2, H1), lambda i: (0, 0)),
                  pl.BlockSpec((1, H2), lambda i: (0, 0)),
                  pl.BlockSpec((1, H2), lambda i: (0, 0)),
                  pl.BlockSpec((1, H2), lambda i: (0, 0))],
        out_specs=pl.BlockSpec((G, H2), lambda i: (0, 0)),
        out_shape=jax.ShapeDtypeStruct((G, H2), jnp.float32),
        scratch_shapes=[pltpu.VMEM((G, D), jnp.float32),
                        pltpu.VMEM((G, D), jnp.float32)],
    )(a, b2, bt, l1w, l1b, g1, be1, l2w, l2b, g2, be2)



def _edge_body(m_hbm, ei_hbm, z_hbm, out_hbm, acc_sp,
               sc0, sc1, dc0, dc1, ra, rb,
               ssi0, ssi1, sdi0, sdi1, sg0, sg1,
               ssc0, ssc1):
    cid = lax.axis_index("c")
    sid = lax.axis_index("s")
    wid = cid * NS + sid
    r0 = pl.multiple_of(sid * ZR, 8)

    sc = (sc0, sc1)
    dc = (dc0, dc1)
    rw = (ra, rb)
    ssi = (ssi0, ssi1)
    sdi = (sdi0, sdi1)
    sg = (sg0, sg1)
    ssc = (ssc0, ssc1)

    def load_src(i, p2):
        pltpu.async_copy(ei_hbm.at[0, wid, i], sc[p2], ssi[p2])

    def load_dst(i, p4):
        pltpu.async_copy(ei_hbm.at[1, wid, i], dc[p4], sdi[p4])

    def wait_src(i, p2):
        pltpu.make_async_copy(ei_hbm.at[0, wid, i], sc[p2], ssi[p2]).wait()

    def wait_dst(i, p4):
        pltpu.make_async_copy(ei_hbm.at[1, wid, i], dc[p4], sdi[p4]).wait()

    def gather(i, p):
        wait_src(i, p)
        pltpu.async_copy(m_hbm.at[sc[p].at[0]], rw[p], sg[p])

    def wait_gather(p):
        pltpu.make_async_copy(m_hbm.at[sc[p].at[0]], rw[p], sg[p]).wait()

    def scatter(i, p):
        wait_dst(i, p)
        pltpu.async_copy(rw[p], acc_sp.at[dc[p].at[0]], ssc[p], add=True)

    def wait_scatter(p):
        pltpu.make_async_copy(rw[p], acc_sp.at[dc[p].at[0]], ssc[p]).wait()

    load_src(0, 0)
    load_src(1, 1)
    load_dst(0, 0)
    load_dst(1, 1)
    gather(0, 0)

    @pl.when(sid < NS - 1)
    def _():
        pltpu.sync_copy(z_hbm.at[pl.ds(0, ZR)], acc_sp.at[pl.ds(r0, ZR)])

    @pl.when(sid == NS - 1)
    def _():
        pltpu.sync_copy(z_hbm.at[pl.ds(0, ZL)], acc_sp.at[pl.ds(r0, ZL)])

    plsc.subcore_barrier()

    def phase(i, p):
        q = 1 - p

        @pl.when(i + 1 < NCH)
        def _():
            @pl.when(i >= 1)
            def _():
                wait_scatter(q)

            @pl.when(i + 1 >= 2)
            def _():
                load_dst(i + 1, q)

            gather(i + 1, q)

        wait_gather(p)
        scatter(i, p)

        @pl.when(i + 2 < NCH)
        def _():
            load_src(i + 2, p)

    def body(i, carry):
        for k in range(2):
            @pl.when(i % 2 == k)
            def _(k=k):
                phase(i, k)
        return carry

    lax.fori_loop(0, NCH, body, 0)
    wait_scatter(0)
    wait_scatter(1)
    plsc.subcore_barrier()

    @pl.when(sid < NS - 1)
    def _():
        pltpu.sync_copy(acc_sp.at[pl.ds(r0, ZR)],
                        out_hbm.at[cid, pl.ds(r0, ZR)])

    @pl.when(sid == NS - 1)
    def _():
        pltpu.sync_copy(acc_sp.at[pl.ds(r0, ZL)],
                        out_hbm.at[cid, pl.ds(r0, ZL)])


def _edge_agg(m, ei_r, zeros):
    mesh = plsc.VectorSubcoreMesh(core_axis_name="c", subcore_axis_name="s")
    k = functools.partial(
        pl.kernel,
        mesh=mesh,
        out_type=jax.ShapeDtypeStruct((NC, N, D), jnp.float32),
        scratch_types=[
            pltpu.VMEM_SHARED((NPAD, D), jnp.float32),
            pltpu.VMEM((1, CH), jnp.int32),
            pltpu.VMEM((1, CH), jnp.int32),
            pltpu.VMEM((1, CH), jnp.int32),
            pltpu.VMEM((1, CH), jnp.int32),
            pltpu.VMEM((CH, D), jnp.float32),
            pltpu.VMEM((CH, D), jnp.float32),
        ] + [pltpu.SemaphoreType.DMA] * 8,
    )(_edge_body)
    return k(m, ei_r, zeros)


def kernel(x, edge_index, batch, W1, b1, W2, b2,
           lin1_W, lin1_b, bn1_g, bn1_b, lin2_W, lin2_b, bn2_g, bn2_b):
    ei3 = edge_index.reshape(2, NW, EPT)
    pad = jnp.broadcast_to(jnp.array([0, N], jnp.int32).reshape(2, 1, 1),
                           (2, NW, PAD))
    ei_r = jnp.concatenate([ei3, pad], axis=2).reshape(2, NW, NCH, 1, CH)
    zeros = jnp.zeros((ZR, D), jnp.float32)
    bt = batch.reshape(NB, 1, BN)

    m1 = _mm(x, W1)
    a1 = _edge_agg(m1, ei_r, zeros)
    m2 = _layer2(a1, b1.reshape(1, D), W2)
    a2 = _edge_agg(m2, ei_r, zeros)
    return _head(a2, b2.reshape(1, D), bt,
                 lin1_W, lin1_b.reshape(1, -1),
                 bn1_g.reshape(1, -1), bn1_b.reshape(1, -1),
                 lin2_W, lin2_b.reshape(1, -1),
                 bn2_g.reshape(1, -1), bn2_b.reshape(1, -1))

# --- scband reference (transcript-rebuilt; emitter-appended) ---
"""Pipeline reference for scband-classifier-28209345200421 (READ-ONLY COPY).

The authoritative reference and input builder live on the scoring server;
editing this copy changes nothing except your own understanding.
"""

import jax, jax.numpy as jnp
import numpy as np

N = 10000
E = 320000
D = 128
G = 64
H1 = 64
H2 = 10


def setup_inputs(seed: int = 0) -> dict:
    key = jax.random.key(seed)
    ks = jax.random.split(key, 16)
    x = jax.random.normal(ks[0], (N, D), dtype=jnp.float32)
    edge_index = jax.random.randint(ks[1], (2, E), 0, N, dtype=jnp.int32)
    batch = jnp.sort(jax.random.randint(ks[2], (N,), 0, G, dtype=jnp.int32))
    s = 1.0 / np.sqrt(D)
    W1 = jax.random.uniform(ks[3], (D, D), dtype=jnp.float32, minval=-s, maxval=s)
    b1 = jnp.zeros((D,), dtype=jnp.float32)
    W2 = jax.random.uniform(ks[4], (D, D), dtype=jnp.float32, minval=-s, maxval=s)
    b2 = jnp.zeros((D,), dtype=jnp.float32)
    lin1_W = jax.random.uniform(ks[5], (H1, D), dtype=jnp.float32, minval=-s, maxval=s)
    lin1_b = jnp.zeros((H1,), dtype=jnp.float32)
    bn1_g = jnp.ones((H1,), dtype=jnp.float32)
    bn1_b = jnp.zeros((H1,), dtype=jnp.float32)
    s2 = 1.0 / np.sqrt(H1)
    lin2_W = jax.random.uniform(ks[6], (H2, H1), dtype=jnp.float32, minval=-s2, maxval=s2)
    lin2_b = jnp.zeros((H2,), dtype=jnp.float32)
    bn2_g = jnp.ones((H2,), dtype=jnp.float32)
    bn2_b = jnp.zeros((H2,), dtype=jnp.float32)
    return {"x": x, "edge_index": edge_index, "batch": batch,
            "W1": W1, "b1": b1, "W2": W2, "b2": b2,
            "lin1_W": lin1_W, "lin1_b": lin1_b, "bn1_g": bn1_g, "bn1_b": bn1_b,
            "lin2_W": lin2_W, "lin2_b": lin2_b, "bn2_g": bn2_g, "bn2_b": bn2_b}


def _bn(x, g, b, eps=1e-5):
    mu = jnp.mean(x, axis=0)
    var = jnp.var(x, axis=0)
    return (x - mu) / jnp.sqrt(var + eps) * g + b


def _gcn_layer(x, src, dst, W, b):
    # PyG GCNConv with normalize=False: out_i = sum_{j->i} (x_j W) + bias
    h = x @ W
    msg = jnp.take(h, src, axis=0)
    agg = jax.ops.segment_sum(msg, dst, num_segments=N)
    return jax.nn.relu(agg + b)


def reference(x, edge_index, batch, W1, b1, W2, b2,
              lin1_W, lin1_b, bn1_g, bn1_b,
              lin2_W, lin2_b, bn2_g, bn2_b):
    src = edge_index[0]
    dst = edge_index[1]
    h = _gcn_layer(x, src, dst, W1, b1)
    h = _gcn_layer(h, src, dst, W2, b2)
    # global_mean_pool over graph ids
    sums = jax.ops.segment_sum(h, batch, num_segments=G)
    counts = jax.ops.segment_sum(jnp.ones((N, 1), dtype=jnp.float32), batch, num_segments=G)
    pooled = sums / jnp.maximum(counts, 1.0)
    # MLP: [Lin(128,64), ReLU, BN(64)] -> [Lin(64,10), ReLU, BN(10)]
    z = pooled @ lin1_W.T + lin1_b
    z = _bn(jax.nn.relu(z), bn1_g, bn1_b)
    z = z @ lin2_W.T + lin2_b
    z = _bn(jax.nn.relu(z), bn2_g, bn2_b)
    return jax.nn.log_softmax(z, axis=1)

if __name__ == "__main__":
    import jax
    _d = setup_inputs()
    print(jax.jit(kernel)(*tuple(_d.values())))

</pallas_src>

<mosaic_0001>
#map = affine_map<(d0, d1) -> (0, 0)>
#map1 = affine_map<(d0, d1) -> (0, 0, 0, 0, 0)>
#map2 = affine_map<(d0, d1) -> (0, 0, 0)>
module attributes {stable_mosaic.version = 14 : i64} {
  func.func @_edge_body(%arg0: i32, %arg1: i32, %arg2: memref<10000x128xf32, #tpu.memory_space<hbm>>, %arg3: memref<2x32x80x1x128xi32, #tpu.memory_space<hbm>>, %arg4: memref<632x128xf32, #tpu.memory_space<hbm>>, %arg5: memref<2x10000x128xf32, #tpu.memory_space<hbm>>, %arg6: memref<10008x128xf32, #tpu.memory_space<vmem_shared>>, %arg7: memref<1x128xi32, #tpu.memory_space<vmem>>, %arg8: memref<1x128xi32, #tpu.memory_space<vmem>>, %arg9: memref<1x128xi32, #tpu.memory_space<vmem>>, %arg10: memref<1x128xi32, #tpu.memory_space<vmem>>, %arg11: memref<128x128xf32, #tpu.memory_space<vmem>>, %arg12: memref<128x128xf32, #tpu.memory_space<vmem>>, %arg13: memref<!tpu.dma_semaphore, #tpu.memory_space<semaphore_mem>>, %arg14: memref<!tpu.dma_semaphore, #tpu.memory_space<semaphore_mem>>, %arg15: memref<!tpu.dma_semaphore, #tpu.memory_space<semaphore_mem>>, %arg16: memref<!tpu.dma_semaphore, #tpu.memory_space<semaphore_mem>>, %arg17: memref<!tpu.dma_semaphore, #tpu.memory_space<semaphore_mem>>, %arg18: memref<!tpu.dma_semaphore, #tpu.memory_space<semaphore_mem>>, %arg19: memref<!tpu.dma_semaphore, #tpu.memory_space<semaphore_mem>>, %arg20: memref<!tpu.dma_semaphore, #tpu.memory_space<semaphore_mem>>) attributes {dimension_semantics = [#tpu.dimension_semantics<core_parallel>, #tpu.dimension_semantics<subcore_parallel>], iteration_bounds = array<i64: 2, 16>, scalar_prefetch = 0 : i64, scratch_operands = 15 : i64, tpu.core_type = #tpu.core_type<sc_vector_subcore>, window_params = [{transform_indices = #map}, {transform_indices = #map1}, {transform_indices = #map}, {transform_indices = #map2}]} {
    %mul3A = arith.constant 16 : i32
    %mul3A_0 = arith.muli %arg0, %mul3A : i32
    %add3A = arith.addi %mul3A_0, %arg1 : i32
    %mul3A_1 = arith.constant 632 : i32
    %mul3A_2 = arith.muli %arg1, %mul3A_1 : i32
    %multiple_of3A = tpu.assume_multiple %mul3A_2, 8 : i32
    %dma_start3A = arith.constant 0 : i32
    %dma_start3A_3 = arith.constant 0 : i32
    %dma_start3A_4 = arith.constant 0 : i32
    %dma_start3A_5 = arith.constant 0 : i32
    %dma_start3A_6 = tpu.memref_slice %arg3[%dma_start3A, %add3A, %dma_start3A_3, %dma_start3A_4, %dma_start3A_5] : memref<2x32x80x1x128xi32, #tpu.memory_space<hbm>> -> memref<1x1x1x1x128xi32, #tpu.memory_space<hbm>>
    %dma_start3A_7 = tpu.memref_squeeze %dma_start3A_6 : memref<1x1x1x1x128xi32, #tpu.memory_space<hbm>> -> memref<1x128xi32, #tpu.memory_space<hbm>>
    %dma_start3A_8 = arith.constant 0 : i32
    %dma_start3A_9 = arith.constant 0 : i32
    %dma_start3A_10 = tpu.memref_slice %arg3[%dma_start3A, %add3A, %dma_start3A_3, %dma_start3A_8, %dma_start3A_9] : memref<2x32x80x1x128xi32, #tpu.memory_space<hbm>> -> memref<1x1x1x1x128xi32, #tpu.memory_space<hbm>>
    %dma_start3A_11 = tpu.memref_squeeze %dma_start3A_10 : memref<1x1x1x1x128xi32, #tpu.memory_space<hbm>> -> memref<1x128xi32, #tpu.memory_space<hbm>>
    tpu.enqueue_dma source(%dma_start3A_11 : memref<1x128xi32, #tpu.memory_space<hbm>>) target(%arg7 : memref<1x128xi32, #tpu.memory_space<vmem>>) target_semaphore(%arg13 : memref<!tpu.dma_semaphore, #tpu.memory_space<semaphore_mem>>)
    %dma_start3A_12 = arith.constant 0 : i32
    %dma_start3A_13 = arith.constant 1 : i32
    %dma_start3A_14 = arith.constant 0 : i32
    %dma_start3A_15 = arith.constant 0 : i32
    %dma_start3A_16 = tpu.memref_slice %arg3[%dma_start3A_12, %add3A, %dma_start3A_13, %dma_start3A_14, %dma_start3A_15] : memref<2x32x80x1x128xi32, #tpu.memory_space<hbm>> -> memref<1x1x1x1x128xi32, #tpu.memory_space<hbm>>
    %dma_start3A_17 = tpu.memref_squeeze %dma_start3A_16 : memref<1x1x1x1x128xi32, #tpu.memory_space<hbm>> -> memref<1x128xi32, #tpu.memory_space<hbm>>
    %dma_start3A_18 = arith.constant 0 : i32
    %dma_start3A_19 = arith.constant 0 : i32
    %dma_start3A_20 = tpu.memref_slice %arg3[%dma_start3A_12, %add3A, %dma_start3A_13, %dma_start3A_18, %dma_start3A_19] : memref<2x32x80x1x128xi32, #tpu.memory_space<hbm>> -> memref<1x1x1x1x128xi32, #tpu.memory_space<hbm>>
    %dma_start3A_21 = tpu.memref_squeeze %dma_start3A_20 : memref<1x1x1x1x128xi32, #tpu.memory_space<hbm>> -> memref<1x128xi32, #tpu.memory_space<hbm>>
    tpu.enqueue_dma source(%dma_start3A_21 : memref<1x128xi32, #tpu.memory_space<hbm>>) target(%arg8 : memref<1x128xi32, #tpu.memory_space<vmem>>) target_semaphore(%arg14 : memref<!tpu.dma_semaphore, #tpu.memory_space<semaphore_mem>>)
    %dma_start3A_22 = arith.constant 1 : i32
    %dma_start3A_23 = arith.constant 0 : i32
    %dma_start3A_24 = arith.constant 0 : i32
    %dma_start3A_25 = arith.constant 0 : i32
    %dma_start3A_26 = tpu.memref_slice %arg3[%dma_start3A_22, %add3A, %dma_start3A_23, %dma_start3A_24, %dma_start3A_25] : memref<2x32x80x1x128xi32, #tpu.memory_space<hbm>> -> memref<1x1x1x1x128xi32, #tpu.memory_space<hbm>>
    %dma_start3A_27 = tpu.memref_squeeze %dma_start3A_26 : memref<1x1x1x1x128xi32, #tpu.memory_space<hbm>> -> memref<1x128xi32, #tpu.memory_space<hbm>>
    %dma_start3A_28 = arith.constant 0 : i32
    %dma_start3A_29 = arith.constant 0 : i32
    %dma_start3A_30 = tpu.memref_slice %arg3[%dma_start3A_22, %add3A, %dma_start3A_23, %dma_start3A_28, %dma_start3A_29] : memref<2x32x80x1x128xi32, #tpu.memory_space<hbm>> -> memref<1x1x1x1x128xi32, #tpu.memory_space<hbm>>
    %dma_start3A_31 = tpu.memref_squeeze %dma_start3A_30 : memref<1x1x1x1x128xi32, #tpu.memory_space<hbm>> -> memref<1x128xi32, #tpu.memory_space<hbm>>
    tpu.enqueue_dma source(%dma_start3A_31 : memref<1x128xi32, #tpu.memory_space<hbm>>) target(%arg9 : memref<1x128xi32, #tpu.memory_space<vmem>>) target_semaphore(%arg15 : memref<!tpu.dma_semaphore, #tpu.memory_space<semaphore_mem>>)
    %dma_start3A_32 = arith.constant 1 : i32
    %dma_start3A_33 = arith.constant 1 : i32
    %dma_start3A_34 = arith.constant 0 : i32
    %dma_start3A_35 = arith.constant 0 : i32
    %dma_start3A_36 = tpu.memref_slice %arg3[%dma_start3A_32, %add3A, %dma_start3A_33, %dma_start3A_34, %dma_start3A_35] : memref<2x32x80x1x128xi32, #tpu.memory_space<hbm>> -> memref<1x1x1x1x128xi32, #tpu.memory_space<hbm>>
    %dma_start3A_37 = tpu.memref_squeeze %dma_start3A_36 : memref<1x1x1x1x128xi32, #tpu.memory_space<hbm>> -> memref<1x128xi32, #tpu.memory_space<hbm>>
    %dma_start3A_38 = arith.constant 0 : i32
    %dma_start3A_39 = arith.constant 0 : i32
    %dma_start3A_40 = tpu.memref_slice %arg3[%dma_start3A_32, %add3A, %dma_start3A_33, %dma_start3A_38, %dma_start3A_39] : memref<2x32x80x1x128xi32, #tpu.memory_space<hbm>> -> memref<1x1x1x1x128xi32, #tpu.memory_space<hbm>>
    %dma_start3A_41 = tpu.memref_squeeze %dma_start3A_40 : memref<1x1x1x1x128xi32, #tpu.memory_space<hbm>> -> memref<1x128xi32, #tpu.memory_space<hbm>>
    tpu.enqueue_dma source(%dma_start3A_41 : memref<1x128xi32, #tpu.memory_space<hbm>>) target(%arg10 : memref<1x128xi32, #tpu.memory_space<vmem>>) target_semaphore(%arg16 : memref<!tpu.dma_semaphore, #tpu.memory_space<semaphore_mem>>)
    %dma_wait3A = arith.constant 0 : i32
    %dma_wait3A_42 = arith.constant 0 : i32
    %dma_wait3A_43 = arith.constant 0 : i32
    %dma_wait3A_44 = arith.constant 0 : i32
    %dma_wait3A_45 = tpu.memref_slice %arg3[%dma_wait3A, %add3A, %dma_wait3A_42, %dma_wait3A_43, %dma_wait3A_44] : memref<2x32x80x1x128xi32, #tpu.memory_space<hbm>> -> memref<1x1x1x1x128xi32, #tpu.memory_space<hbm>>
    %dma_wait3A_46 = tpu.memref_squeeze %dma_wait3A_45 : memref<1x1x1x1x128xi32, #tpu.memory_space<hbm>> -> memref<1x128xi32, #tpu.memory_space<hbm>>
    %dma_wait3A_47 = arith.constant 0 : i32
    %dma_wait3A_48 = arith.constant 0 : i32
    %dma_wait3A_49 = tpu.memref_slice %arg3[%dma_wait3A, %add3A, %dma_wait3A_42, %dma_wait3A_47, %dma_wait3A_48] : memref<2x32x80x1x128xi32, #tpu.memory_space<hbm>> -> memref<1x1x1x1x128xi32, #tpu.memory_space<hbm>>
    %dma_wait3A_50 = tpu.memref_squeeze %dma_wait3A_49 : memref<1x1x1x1x128xi32, #tpu.memory_space<hbm>> -> memref<1x128xi32, #tpu.memory_space<hbm>>
    tpu.wait_dma2 semaphore(%arg13 : memref<!tpu.dma_semaphore, #tpu.memory_space<semaphore_mem>>) src(%dma_wait3A_50 : memref<1x128xi32, #tpu.memory_space<hbm>>) dst(%arg7 : memref<1x128xi32, #tpu.memory_space<vmem>>)
    %dma_start3A_51 = arith.constant 0 : i32
    %dma_start3A_52 = arith.constant 0 : i32
    %dma_start3A_53 = tpu.memref_slice %arg7[%dma_start3A_51, %dma_start3A_52] : memref<1x128xi32, #tpu.memory_space<vmem>> -> memref<1x128xi32, #tpu.memory_space<vmem>>
    %dma_start3A_54 = tpu.memref_squeeze %dma_start3A_53 : memref<1x128xi32, #tpu.memory_space<vmem>> -> memref<128xi32, #tpu.memory_space<vmem>>
    %dma_start3A_55 = arith.constant 0 : i32
    %dma_start3A_56 = arith.constant 0 : i32
    %dma_start3A_57 = tpu.memref_slice %arg2[%dma_start3A_55, %dma_start3A_56] : memref<10000x128xf32, #tpu.memory_space<hbm>> -> memref<10000x128xf32, #tpu.memory_space<hbm>>
    tpu.enqueue_indirect_dma source(%dma_start3A_57 : memref<10000x128xf32, #tpu.memory_space<hbm>>) target(%arg11 : memref<128x128xf32, #tpu.memory_space<vmem>>) offsets(%dma_start3A_54 : memref<128xi32, #tpu.memory_space<vmem>>) semaphore(%arg17 : memref<!tpu.dma_semaphore, #tpu.memory_space<semaphore_mem>>)
    %lt3A = arith.constant 15 : i32
    %lt3A_58 = arith.cmpi slt, %arg1, %lt3A : i32
    %convert_element_type3A = arith.extui %lt3A_58 : i1 to i32
    %cond3A = arith.constant 0 : i32
    %cond3A_59 = arith.cmpi ne, %convert_element_type3A, %cond3A : i32
    scf.if %cond3A_59 {
      "tpu.region"() ({
        %run_scoped3A = tpu.sem_alloc : memref<!tpu.dma_semaphore, #tpu.memory_space<semaphore_mem>>
        %dma_start3A_94 = arith.constant 0 : i32
        %dma_start3A_95 = tpu.memref_slice %arg6[%multiple_of3A, %dma_start3A_94] : memref<10008x128xf32, #tpu.memory_space<vmem_shared>> -> memref<632x128xf32, #tpu.memory_space<vmem_shared>>
        %dma_start3A_96 = arith.constant 0 : i32
        %dma_start3A_97 = arith.constant 0 : i32
        %dma_start3A_98 = tpu.memref_slice %arg4[%dma_start3A_96, %dma_start3A_97] : memref<632x128xf32, #tpu.memory_space<hbm>> -> memref<632x128xf32, #tpu.memory_space<hbm>>
        tpu.enqueue_dma source(%dma_start3A_98 : memref<632x128xf32, #tpu.memory_space<hbm>>) target(%dma_start3A_95 : memref<632x128xf32, #tpu.memory_space<vmem_shared>>) target_semaphore(%run_scoped3A : memref<!tpu.dma_semaphore, #tpu.memory_space<semaphore_mem>>)
        %dma_wait3A_99 = arith.constant 0 : i32
        %dma_wait3A_100 = tpu.memref_slice %arg6[%multiple_of3A, %dma_wait3A_99] : memref<10008x128xf32, #tpu.memory_space<vmem_shared>> -> memref<632x128xf32, #tpu.memory_space<vmem_shared>>
        %dma_wait3A_101 = arith.constant 0 : i32
        %dma_wait3A_102 = arith.constant 0 : i32
        %dma_wait3A_103 = tpu.memref_slice %arg4[%dma_wait3A_101, %dma_wait3A_102] : memref<632x128xf32, #tpu.memory_space<hbm>> -> memref<632x128xf32, #tpu.memory_space<hbm>>
        tpu.wait_dma2 semaphore(%run_scoped3A : memref<!tpu.dma_semaphore, #tpu.memory_space<semaphore_mem>>) src(%dma_wait3A_103 : memref<632x128xf32, #tpu.memory_space<hbm>>) dst(%dma_wait3A_100 : memref<632x128xf32, #tpu.memory_space<vmem_shared>>)
        tpu.yield
      }) : () -> ()
    } else {
    }
    %eq3A = arith.constant 15 : i32
    %eq3A_60 = arith.cmpi eq, %arg1, %eq3A : i32
    %convert_element_type3A_61 = arith.extui %eq3A_60 : i1 to i32
    %cond3A_62 = arith.constant 0 : i32
    %cond3A_63 = arith.cmpi ne, %convert_element_type3A_61, %cond3A_62 : i32
    scf.if %cond3A_63 {
      "tpu.region"() ({
        %run_scoped3A = tpu.sem_alloc : memref<!tpu.dma_semaphore, #tpu.memory_space<semaphore_mem>>
        %dma_start3A_94 = arith.constant 0 : i32
        %dma_start3A_95 = tpu.memref_slice %arg6[%multiple_of3A, %dma_start3A_94] : memref<10008x128xf32, #tpu.memory_space<vmem_shared>> -> memref<520x128xf32, #tpu.memory_space<vmem_shared>>
        %dma_start3A_96 = arith.constant 0 : i32
        %dma_start3A_97 = arith.constant 0 : i32
        %dma_start3A_98 = tpu.memref_slice %arg4[%dma_start3A_96, %dma_start3A_97] : memref<632x128xf32, #tpu.memory_space<hbm>> -> memref<520x128xf32, #tpu.memory_space<hbm>>
        tpu.enqueue_dma source(%dma_start3A_98 : memref<520x128xf32, #tpu.memory_space<hbm>>) target(%dma_start3A_95 : memref<520x128xf32, #tpu.memory_space<vmem_shared>>) target_semaphore(%run_scoped3A : memref<!tpu.dma_semaphore, #tpu.memory_space<semaphore_mem>>)
        %dma_wait3A_99 = arith.constant 0 : i32
        %dma_wait3A_100 = tpu.memref_slice %arg6[%multiple_of3A, %dma_wait3A_99] : memref<10008x128xf32, #tpu.memory_space<vmem_shared>> -> memref<520x128xf32, #tpu.memory_space<vmem_shared>>
        %dma_wait3A_101 = arith.constant 0 : i32
        %dma_wait3A_102 = arith.constant 0 : i32
        %dma_wait3A_103 = tpu.memref_slice %arg4[%dma_wait3A_101, %dma_wait3A_102] : memref<632x128xf32, #tpu.memory_space<hbm>> -> memref<520x128xf32, #tpu.memory_space<hbm>>
        tpu.wait_dma2 semaphore(%run_scoped3A : memref<!tpu.dma_semaphore, #tpu.memory_space<semaphore_mem>>) src(%dma_wait3A_103 : memref<520x128xf32, #tpu.memory_space<hbm>>) dst(%dma_wait3A_100 : memref<520x128xf32, #tpu.memory_space<vmem_shared>>)
        tpu.yield
      }) : () -> ()
    } else {
    }
    %barrier3A = arith.constant 0 : index
    tpu.barrier barrier_id(%barrier3A)
    %scan3A = arith.constant 0 : i32
    %scan3A_64 = arith.constant 0 : i32
    %scan3A_65 = arith.constant 80 : i32
    %scan3A_66 = arith.addi %scan3A_64, %scan3A_65 : i32
    %scan3A_67 = arith.constant 1 : i32
    scf.for %scan3A_94 = %scan3A_64 to %scan3A_66 step %scan3A_67  : i32 {
      %jit3A = arith.constant 2 : i32
      %eq3A_95 = arith.constant 0 : i32
      %eq3A_96 = arith.cmpi eq, %jit3A, %eq3A_95 : i32
      %jit3A_97 = arith.constant 1 : i32
      %select_n3A = arith.select %eq3A_96, %jit3A_97, %jit3A : i32
      %rem3A = arith.remsi %scan3A_94, %select_n3A : i32
      %ne3A = arith.constant 0 : i32
      %ne3A_98 = arith.cmpi ne, %rem3A, %ne3A : i32
      %lt3A_99 = arith.constant 0 : i32
      %lt3A_100 = arith.cmpi slt, %rem3A, %lt3A_99 : i32
      %lt3A_101 = arith.constant 0 : i32
      %lt3A_102 = arith.cmpi slt, %select_n3A, %lt3A_101 : i32
      %ne3A_103 = arith.xori %lt3A_100, %lt3A_102 : i1
      %and3A = arith.andi %ne3A_103, %ne3A_98 : i1
      %add3A_104 = arith.addi %rem3A, %select_n3A : i32
      %select_n3A_105 = arith.select %and3A, %add3A_104, %rem3A : i32
      %eq3A_106 = arith.constant 0 : i32
      %eq3A_107 = arith.cmpi eq, %select_n3A_105, %eq3A_106 : i32
      %convert_element_type3A_108 = arith.extui %eq3A_107 : i1 to i32
      %cond3A_109 = arith.constant 0 : i32
      %cond3A_110 = arith.cmpi ne, %convert_element_type3A_108, %cond3A_109 : i32
      scf.if %cond3A_110 {
        %add3A_132 = arith.constant 1 : i32
        %add3A_133 = arith.addi %scan3A_94, %add3A_132 : i32
        %lt3A_134 = arith.constant 80 : i32
        %lt3A_135 = arith.cmpi slt, %add3A_133, %lt3A_134 : i32
        %convert_element_type3A_136 = arith.extui %lt3A_135 : i1 to i32
        %cond3A_137 = arith.constant 0 : i32
        %cond3A_138 = arith.cmpi ne, %convert_element_type3A_136, %cond3A_137 : i32
        scf.if %cond3A_138 {
          %ge3A = arith.constant 1 : i32
          %ge3A_169 = arith.cmpi sge, %scan3A_94, %ge3A : i32
          %convert_element_type3A_170 = arith.extui %ge3A_169 : i1 to i32
          %cond3A_171 = arith.constant 0 : i32
          %cond3A_172 = arith.cmpi ne, %convert_element_type3A_170, %cond3A_171 : i32
          scf.if %cond3A_172 {
            %dma_wait3A_198 = arith.constant 0 : i32
            %dma_wait3A_199 = arith.constant 0 : i32
            %dma_wait3A_200 = tpu.memref_slice %arg10[%dma_wait3A_198, %dma_wait3A_199] : memref<1x128xi32, #tpu.memory_space<vmem>> -> memref<1x128xi32, #tpu.memory_space<vmem>>
            %dma_wait3A_201 = tpu.memref_squeeze %dma_wait3A_200 : memref<1x128xi32, #tpu.memory_space<vmem>> -> memref<128xi32, #tpu.memory_space<vmem>>
            %dma_wait3A_202 = arith.constant 0 : i32
            %dma_wait3A_203 = arith.constant 0 : i32
            %dma_wait3A_204 = tpu.memref_slice %arg6[%dma_wait3A_202, %dma_wait3A_203] : memref<10008x128xf32, #tpu.memory_space<vmem_shared>> -> memref<10008x128xf32, #tpu.memory_space<vmem_shared>>
            tpu.wait_indirect_dma semaphore(%arg20 : memref<!tpu.dma_semaphore, #tpu.memory_space<semaphore_mem>>) src(%arg12 : memref<128x128xf32, #tpu.memory_space<vmem>>) dst(%dma_wait3A_204 : memref<10008x128xf32, #tpu.memory_space<vmem_shared>>)
          } else {
          }
          %add3A_173 = arith.constant 1 : i32
          %add3A_174 = arith.addi %scan3A_94, %add3A_173 : i32
          %ge3A_175 = arith.constant 2 : i32
          %ge3A_176 = arith.cmpi sge, %add3A_174, %ge3A_175 : i32
          %convert_element_type3A_177 = arith.extui %ge3A_176 : i1 to i32
          %cond3A_178 = arith.constant 0 : i32
          %cond3A_179 = arith.cmpi ne, %convert_element_type3A_177, %cond3A_178 : i32
          scf.if %cond3A_179 {
            %add3A_198 = arith.constant 1 : i32
            %add3A_199 = arith.addi %scan3A_94, %add3A_198 : i32
            %dma_start3A_200 = arith.constant 1 : i32
            %dma_start3A_201 = arith.constant 0 : i32
            %dma_start3A_202 = arith.constant 0 : i32
            %dma_start3A_203 = tpu.memref_slice %arg3[%dma_start3A_200, %add3A, %add3A_199, %dma_start3A_201, %dma_start3A_202] : memref<2x32x80x1x128xi32, #tpu.memory_space<hbm>> -> memref<1x1x1x1x128xi32, #tpu.memory_space<hbm>>
            %dma_start3A_204 = tpu.memref_squeeze %dma_start3A_203 : memref<1x1x1x1x128xi32, #tpu.memory_space<hbm>> -> memref<1x128xi32, #tpu.memory_space<hbm>>
            %dma_start3A_205 = arith.constant 0 : i32
            %dma_start3A_206 = arith.constant 0 : i32
            %dma_start3A_207 = tpu.memref_slice %arg3[%dma_start3A_200, %add3A, %add3A_199, %dma_start3A_205, %dma_start3A_206] : memref<2x32x80x1x128xi32, #tpu.memory_space<hbm>> -> memref<1x1x1x1x128xi32, #tpu.memory_space<hbm>>
            %dma_start3A_208 = tpu.memref_squeeze %dma_start3A_207 : memref<1x1x1x1x128xi32, #tpu.memory_space<hbm>> -> memref<1x128xi32, #tpu.memory_space<hbm>>
            tpu.enqueue_dma source(%dma_start3A_208 : memref<1x128xi32, #tpu.memory_space<hbm>>) target(%arg10 : memref<1x128xi32, #tpu.memory_space<vmem>>) target_semaphore(%arg16 : memref<!tpu.dma_semaphore, #tpu.memory_space<semaphore_mem>>)
          } else {
          }
          %add3A_180 = arith.constant 1 : i32
          %add3A_181 = arith.addi %scan3A_94, %add3A_180 : i32
          %dma_wait3A_182 = arith.constant 0 : i32
          %dma_wait3A_183 = arith.constant 0 : i32
          %dma_wait3A_184 = arith.constant 0 : i32
          %dma_wait3A_185 = tpu.memref_slice %arg3[%dma_wait3A_182, %add3A, %add3A_181, %dma_wait3A_183, %dma_wait3A_184] : memref<2x32x80x1x128xi32, #tpu.memory_space<hbm>> -> memref<1x1x1x1x128xi32, #tpu.memory_space<hbm>>
          %dma_wait3A_186 = tpu.memref_squeeze %dma_wait3A_185 : memref<1x1x1x1x128xi32, #tpu.memory_space<hbm>> -> memref<1x128xi32, #tpu.memory_space<hbm>>
          %dma_wait3A_187 = arith.constant 0 : i32
          %dma_wait3A_188 = arith.constant 0 : i32
          %dma_wait3A_189 = tpu.memref_slice %arg3[%dma_wait3A_182, %add3A, %add3A_181, %dma_wait3A_187, %dma_wait3A_188] : memref<2x32x80x1x128xi32, #tpu.memory_space<hbm>> -> memref<1x1x1x1x128xi32, #tpu.memory_space<hbm>>
          %dma_wait3A_190 = tpu.memref_squeeze %dma_wait3A_189 : memref<1x1x1x1x128xi32, #tpu.memory_space<hbm>> -> memref<1x128xi32, #tpu.memory_space<hbm>>
          tpu.wait_dma2 semaphore(%arg14 : memref<!tpu.dma_semaphore, #tpu.memory_space<semaphore_mem>>) src(%dma_wait3A_190 : memref<1x128xi32, #tpu.memory_space<hbm>>) dst(%arg8 : memref<1x128xi32, #tpu.memory_space<vmem>>)
          %dma_start3A_191 = arith.constant 0 : i32
          %dma_start3A_192 = arith.constant 0 : i32
          %dma_start3A_193 = tpu.memref_slice %arg8[%dma_start3A_191, %dma_start3A_192] : memref<1x128xi32, #tpu.memory_space<vmem>> -> memref<1x128xi32, #tpu.memory_space<vmem>>
          %dma_start3A_194 = tpu.memref_squeeze %dma_start3A_193 : memref<1x128xi32, #tpu.memory_space<vmem>> -> memref<128xi32, #tpu.memory_space<vmem>>
          %dma_start3A_195 = arith.constant 0 : i32
          %dma_start3A_196 = arith.constant 0 : i32
          %dma_start3A_197 = tpu.memref_slice %arg2[%dma_start3A_195, %dma_start3A_196] : memref<10000x128xf32, #tpu.memory_space<hbm>> -> memref<10000x128xf32, #tpu.memory_space<hbm>>
          tpu.enqueue_indirect_dma source(%dma_start3A_197 : memref<10000x128xf32, #tpu.memory_space<hbm>>) target(%arg12 : memref<128x128xf32, #tpu.memory_space<vmem>>) offsets(%dma_start3A_194 : memref<128xi32, #tpu.memory_space<vmem>>) semaphore(%arg18 : memref<!tpu.dma_semaphore, #tpu.memory_space<semaphore_mem>>)
        } else {
        }
        %dma_wait3A_139 = arith.constant 0 : i32
        %dma_wait3A_140 = arith.constant 0 : i32
        %dma_wait3A_141 = tpu.memref_slice %arg7[%dma_wait3A_139, %dma_wait3A_140] : memref<1x128xi32, #tpu.memory_space<vmem>> -> memref<1x128xi32, #tpu.memory_space<vmem>>
        %dma_wait3A_142 = tpu.memref_squeeze %dma_wait3A_141 : memref<1x128xi32, #tpu.memory_space<vmem>> -> memref<128xi32, #tpu.memory_space<vmem>>
        %dma_wait3A_143 = arith.constant 0 : i32
        %dma_wait3A_144 = arith.constant 0 : i32
        %dma_wait3A_145 = tpu.memref_slice %arg2[%dma_wait3A_143, %dma_wait3A_144] : memref<10000x128xf32, #tpu.memory_space<hbm>> -> memref<10000x128xf32, #tpu.memory_space<hbm>>
        tpu.wait_indirect_dma semaphore(%arg17 : memref<!tpu.dma_semaphore, #tpu.memory_space<semaphore_mem>>) src(%dma_wait3A_145 : memref<10000x128xf32, #tpu.memory_space<hbm>>) dst(%arg11 : memref<128x128xf32, #tpu.memory_space<vmem>>)
        %dma_wait3A_146 = arith.constant 1 : i32
        %dma_wait3A_147 = arith.constant 0 : i32
        %dma_wait3A_148 = arith.constant 0 : i32
        %dma_wait3A_149 = tpu.memref_slice %arg3[%dma_wait3A_146, %add3A, %scan3A_94, %dma_wait3A_147, %dma_wait3A_148] : memref<2x32x80x1x128xi32, #tpu.memory_space<hbm>> -> memref<1x1x1x1x128xi32, #tpu.memory_space<hbm>>
        %dma_wait3A_150 = tpu.memref_squeeze %dma_wait3A_149 : memref<1x1x1x1x128xi32, #tpu.memory_space<hbm>> -> memref<1x128xi32, #tpu.memory_space<hbm>>
        %dma_wait3A_151 = arith.constant 0 : i32
        %dma_wait3A_152 = arith.constant 0 : i32
        %dma_wait3A_153 = tpu.memref_slice %arg3[%dma_wait3A_146, %add3A, %scan3A_94, %dma_wait3A_151, %dma_wait3A_152] : memref<2x32x80x1x128xi32, #tpu.memory_space<hbm>> -> memref<1x1x1x1x128xi32, #tpu.memory_space<hbm>>
        %dma_wait3A_154 = tpu.memref_squeeze %dma_wait3A_153 : memref<1x1x1x1x128xi32, #tpu.memory_space<hbm>> -> memref<1x128xi32, #tpu.memory_space<hbm>>
        tpu.wait_dma2 semaphore(%arg15 : memref<!tpu.dma_semaphore, #tpu.memory_space<semaphore_mem>>) src(%dma_wait3A_154 : memref<1x128xi32, #tpu.memory_space<hbm>>) dst(%arg9 : memref<1x128xi32, #tpu.memory_space<vmem>>)
        %dma_start3A_155 = arith.constant 0 : i32
        %dma_start3A_156 = arith.constant 0 : i32
        %dma_start3A_157 = tpu.memref_slice %arg9[%dma_start3A_155, %dma_start3A_156] : memref<1x128xi32, #tpu.memory_space<vmem>> -> memref<1x128xi32, #tpu.memory_space<vmem>>
        %dma_start3A_158 = tpu.memref_squeeze %dma_start3A_157 : memref<1x128xi32, #tpu.memory_space<vmem>> -> memref<128xi32, #tpu.memory_space<vmem>>
        %dma_start3A_159 = arith.constant 0 : i32
        %dma_start3A_160 = arith.constant 0 : i32
        %dma_start3A_161 = tpu.memref_slice %arg6[%dma_start3A_159, %dma_start3A_160] : memref<10008x128xf32, #tpu.memory_space<vmem_shared>> -> memref<10008x128xf32, #tpu.memory_space<vmem_shared>>
        tpu.enqueue_indirect_dma source(%arg11 : memref<128x128xf32, #tpu.memory_space<vmem>>) target(%dma_start3A_161 : memref<10008x128xf32, #tpu.memory_space<vmem_shared>>) offsets(%dma_start3A_158 : memref<128xi32, #tpu.memory_space<vmem>>) semaphore(%arg19 : memref<!tpu.dma_semaphore, #tpu.memory_space<semaphore_mem>>) {add = true}
        %add3A_162 = arith.constant 2 : i32
        %add3A_163 = arith.addi %scan3A_94, %add3A_162 : i32
        %lt3A_164 = arith.constant 80 : i32
        %lt3A_165 = arith.cmpi slt, %add3A_163, %lt3A_164 : i32
        %convert_element_type3A_166 = arith.extui %lt3A_165 : i1 to i32
        %cond3A_167 = arith.constant 0 : i32
        %cond3A_168 = arith.cmpi ne, %convert_element_type3A_166, %cond3A_167 : i32
        scf.if %cond3A_168 {
          %add3A_169 = arith.constant 2 : i32
          %add3A_170 = arith.addi %scan3A_94, %add3A_169 : i32
          %dma_start3A_171 = arith.constant 0 : i32
          %dma_start3A_172 = arith.constant 0 : i32
          %dma_start3A_173 = arith.constant 0 : i32
          %dma_start3A_174 = tpu.memref_slice %arg3[%dma_start3A_171, %add3A, %add3A_170, %dma_start3A_172, %dma_start3A_173] : memref<2x32x80x1x128xi32, #tpu.memory_space<hbm>> -> memref<1x1x1x1x128xi32, #tpu.memory_space<hbm>>
          %dma_start3A_175 = tpu.memref_squeeze %dma_start3A_174 : memref<1x1x1x1x128xi32, #tpu.memory_space<hbm>> -> memref<1x128xi32, #tpu.memory_space<hbm>>
          %dma_start3A_176 = arith.constant 0 : i32
          %dma_start3A_177 = arith.constant 0 : i32
          %dma_start3A_178 = tpu.memref_slice %arg3[%dma_start3A_171, %add3A, %add3A_170, %dma_start3A_176, %dma_start3A_177] : memref<2x32x80x1x128xi32, #tpu.memory_space<hbm>> -> memref<1x1x1x1x128xi32, #tpu.memory_space<hbm>>
          %dma_start3A_179 = tpu.memref_squeeze %dma_start3A_178 : memref<1x1x1x1x128xi32, #tpu.memory_space<hbm>> -> memref<1x128xi32, #tpu.memory_space<hbm>>
          tpu.enqueue_dma source(%dma_start3A_179 : memref<1x128xi32, #tpu.memory_space<hbm>>) target(%arg7 : memref<1x128xi32, #tpu.memory_space<vmem>>) target_semaphore(%arg13 : memref<!tpu.dma_semaphore, #tpu.memory_space<semaphore_mem>>)
        } else {
        }
      } else {
      }
      %jit3A_111 = arith.constant 2 : i32
      %eq3A_112 = arith.constant 0 : i32
      %eq3A_113 = arith.cmpi eq, %jit3A_111, %eq3A_112 : i32
      %jit3A_114 = arith.constant 1 : i32
      %select_n3A_115 = arith.select %eq3A_113, %jit3A_114, %jit3A_111 : i32
      %rem3A_116 = arith.remsi %scan3A_94, %select_n3A_115 : i32
      %ne3A_117 = arith.constant 0 : i32
      %ne3A_118 = arith.cmpi ne, %rem3A_116, %ne3A_117 : i32
      %lt3A_119 = arith.constant 0 : i32
      %lt3A_120 = arith.cmpi slt, %rem3A_116, %lt3A_119 : i32
      %lt3A_121 = arith.constant 0 : i32
      %lt3A_122 = arith.cmpi slt, %select_n3A_115, %lt3A_121 : i32
      %ne3A_123 = arith.xori %lt3A_120, %lt3A_122 : i1
      %and3A_124 = arith.andi %ne3A_123, %ne3A_118 : i1
      %add3A_125 = arith.addi %rem3A_116, %select_n3A_115 : i32
      %select_n3A_126 = arith.select %and3A_124, %add3A_125, %rem3A_116 : i32
      %eq3A_127 = arith.constant 1 : i32
      %eq3A_128 = arith.cmpi eq, %select_n3A_126, %eq3A_127 : i32
      %convert_element_type3A_129 = arith.extui %eq3A_128 : i1 to i32
      %cond3A_130 = arith.constant 0 : i32
      %cond3A_131 = arith.cmpi ne, %convert_element_type3A_129, %cond3A_130 : i32
      scf.if %cond3A_131 {
        %add3A_132 = arith.constant 1 : i32
        %add3A_133 = arith.addi %scan3A_94, %add3A_132 : i32
        %lt3A_134 = arith.constant 80 : i32
        %lt3A_135 = arith.cmpi slt, %add3A_133, %lt3A_134 : i32
        %convert_element_type3A_136 = arith.extui %lt3A_135 : i1 to i32
        %cond3A_137 = arith.constant 0 : i32
        %cond3A_138 = arith.cmpi ne, %convert_element_type3A_136, %cond3A_137 : i32
        scf.if %cond3A_138 {
          %ge3A = arith.constant 1 : i32
          %ge3A_169 = arith.cmpi sge, %scan3A_94, %ge3A : i32
          %convert_element_type3A_170 = arith.extui %ge3A_169 : i1 to i32
          %cond3A_171 = arith.constant 0 : i32
          %cond3A_172 = arith.cmpi ne, %convert_element_type3A_170, %cond3A_171 : i32
          scf.if %cond3A_172 {
            %dma_wait3A_198 = arith.constant 0 : i32
            %dma_wait3A_199 = arith.constant 0 : i32
            %dma_wait3A_200 = tpu.memref_slice %arg9[%dma_wait3A_198, %dma_wait3A_199] : memref<1x128xi32, #tpu.memory_space<vmem>> -> memref<1x128xi32, #tpu.memory_space<vmem>>
            %dma_wait3A_201 = tpu.memref_squeeze %dma_wait3A_200 : memref<1x128xi32, #tpu.memory_space<vmem>> -> memref<128xi32, #tpu.memory_space<vmem>>
            %dma_wait3A_202 = arith.constant 0 : i32
            %dma_wait3A_203 = arith.constant 0 : i32
            %dma_wait3A_204 = tpu.memref_slice %arg6[%dma_wait3A_202, %dma_wait3A_203] : memref<10008x128xf32, #tpu.memory_space<vmem_shared>> -> memref<10008x128xf32, #tpu.memory_space<vmem_shared>>
            tpu.wait_indirect_dma semaphore(%arg19 : memref<!tpu.dma_semaphore, #tpu.memory_space<semaphore_mem>>) src(%arg11 : memref<128x128xf32, #tpu.memory_space<vmem>>) dst(%dma_wait3A_204 : memref<10008x128xf32, #tpu.memory_space<vmem_shared>>)
          } else {
          }
          %add3A_173 = arith.constant 1 : i32
          %add3A_174 = arith.addi %scan3A_94, %add3A_173 : i32
          %ge3A_175 = arith.constant 2 : i32
          %ge3A_176 = arith.cmpi sge, %add3A_174, %ge3A_175 : i32
          %convert_element_type3A_177 = arith.extui %ge3A_176 : i1 to i32
          %cond3A_178 = arith.constant 0 : i32
          %cond3A_179 = arith.cmpi ne, %convert_element_type3A_177, %cond3A_178 : i32
          scf.if %cond3A_179 {
            %add3A_198 = arith.constant 1 : i32
            %add3A_199 = arith.addi %scan3A_94, %add3A_198 : i32
            %dma_start3A_200 = arith.constant 1 : i32
            %dma_start3A_201 = arith.constant 0 : i32
            %dma_start3A_202 = arith.constant 0 : i32
            %dma_start3A_203 = tpu.memref_slice %arg3[%dma_start3A_200, %add3A, %add3A_199, %dma_start3A_201, %dma_start3A_202] : memref<2x32x80x1x128xi32, #tpu.memory_space<hbm>> -> memref<1x1x1x1x128xi32, #tpu.memory_space<hbm>>
            %dma_start3A_204 = tpu.memref_squeeze %dma_start3A_203 : memref<1x1x1x1x128xi32, #tpu.memory_space<hbm>> -> memref<1x128xi32, #tpu.memory_space<hbm>>
            %dma_start3A_205 = arith.constant 0 : i32
            %dma_start3A_206 = arith.constant 0 : i32
            %dma_start3A_207 = tpu.memref_slice %arg3[%dma_start3A_200, %add3A, %add3A_199, %dma_start3A_205, %dma_start3A_206] : memref<2x32x80x1x128xi32, #tpu.memory_space<hbm>> -> memref<1x1x1x1x128xi32, #tpu.memory_space<hbm>>
            %dma_start3A_208 = tpu.memref_squeeze %dma_start3A_207 : memref<1x1x1x1x128xi32, #tpu.memory_space<hbm>> -> memref<1x128xi32, #tpu.memory_space<hbm>>
            tpu.enqueue_dma source(%dma_start3A_208 : memref<1x128xi32, #tpu.memory_space<hbm>>) target(%arg9 : memref<1x128xi32, #tpu.memory_space<vmem>>) target_semaphore(%arg15 : memref<!tpu.dma_semaphore, #tpu.memory_space<semaphore_mem>>)
          } else {
          }
          %add3A_180 = arith.constant 1 : i32
          %add3A_181 = arith.addi %scan3A_94, %add3A_180 : i32
          %dma_wait3A_182 = arith.constant 0 : i32
          %dma_wait3A_183 = arith.constant 0 : i32
          %dma_wait3A_184 = arith.constant 0 : i32
          %dma_wait3A_185 = tpu.memref_slice %arg3[%dma_wait3A_182, %add3A, %add3A_181, %dma_wait3A_183, %dma_wait3A_184] : memref<2x32x80x1x128xi32, #tpu.memory_space<hbm>> -> memref<1x1x1x1x128xi32, #tpu.memory_space<hbm>>
          %dma_wait3A_186 = tpu.memref_squeeze %dma_wait3A_185 : memref<1x1x1x1x128xi32, #tpu.memory_space<hbm>> -> memref<1x128xi32, #tpu.memory_space<hbm>>
          %dma_wait3A_187 = arith.constant 0 : i32
          %dma_wait3A_188 = arith.constant 0 : i32
          %dma_wait3A_189 = tpu.memref_slice %arg3[%dma_wait3A_182, %add3A, %add3A_181, %dma_wait3A_187, %dma_wait3A_188] : memref<2x32x80x1x128xi32, #tpu.memory_space<hbm>> -> memref<1x1x1x1x128xi32, #tpu.memory_space<hbm>>
          %dma_wait3A_190 = tpu.memref_squeeze %dma_wait3A_189 : memref<1x1x1x1x128xi32, #tpu.memory_space<hbm>> -> memref<1x128xi32, #tpu.memory_space<hbm>>
          tpu.wait_dma2 semaphore(%arg13 : memref<!tpu.dma_semaphore, #tpu.memory_space<semaphore_mem>>) src(%dma_wait3A_190 : memref<1x128xi32, #tpu.memory_space<hbm>>) dst(%arg7 : memref<1x128xi32, #tpu.memory_space<vmem>>)
          %dma_start3A_191 = arith.constant 0 : i32
          %dma_start3A_192 = arith.constant 0 : i32
          %dma_start3A_193 = tpu.memref_slice %arg7[%dma_start3A_191, %dma_start3A_192] : memref<1x128xi32, #tpu.memory_space<vmem>> -> memref<1x128xi32, #tpu.memory_space<vmem>>
          %dma_start3A_194 = tpu.memref_squeeze %dma_start3A_193 : memref<1x128xi32, #tpu.memory_space<vmem>> -> memref<128xi32, #tpu.memory_space<vmem>>
          %dma_start3A_195 = arith.constant 0 : i32
          %dma_start3A_196 = arith.constant 0 : i32
          %dma_start3A_197 = tpu.memref_slice %arg2[%dma_start3A_195, %dma_start3A_196] : memref<10000x128xf32, #tpu.memory_space<hbm>> -> memref<10000x128xf32, #tpu.memory_space<hbm>>
          tpu.enqueue_indirect_dma source(%dma_start3A_197 : memref<10000x128xf32, #tpu.memory_space<hbm>>) target(%arg11 : memref<128x128xf32, #tpu.memory_space<vmem>>) offsets(%dma_start3A_194 : memref<128xi32, #tpu.memory_space<vmem>>) semaphore(%arg17 : memref<!tpu.dma_semaphore, #tpu.memory_space<semaphore_mem>>)
        } else {
        }
        %dma_wait3A_139 = arith.constant 0 : i32
        %dma_wait3A_140 = arith.constant 0 : i32
        %dma_wait3A_141 = tpu.memref_slice %arg8[%dma_wait3A_139, %dma_wait3A_140] : memref<1x128xi32, #tpu.memory_space<vmem>> -> memref<1x128xi32, #tpu.memory_space<vmem>>
        %dma_wait3A_142 = tpu.memref_squeeze %dma_wait3A_141 : memref<1x128xi32, #tpu.memory_space<vmem>> -> memref<128xi32, #tpu.memory_space<vmem>>
        %dma_wait3A_143 = arith.constant 0 : i32
        %dma_wait3A_144 = arith.constant 0 : i32
        %dma_wait3A_145 = tpu.memref_slice %arg2[%dma_wait3A_143, %dma_wait3A_144] : memref<10000x128xf32, #tpu.memory_space<hbm>> -> memref<10000x128xf32, #tpu.memory_space<hbm>>
        tpu.wait_indirect_dma semaphore(%arg18 : memref<!tpu.dma_semaphore, #tpu.memory_space<semaphore_mem>>) src(%dma_wait3A_145 : memref<10000x128xf32, #tpu.memory_space<hbm>>) dst(%arg12 : memref<128x128xf32, #tpu.memory_space<vmem>>)
        %dma_wait3A_146 = arith.constant 1 : i32
        %dma_wait3A_147 = arith.constant 0 : i32
        %dma_wait3A_148 = arith.constant 0 : i32
        %dma_wait3A_149 = tpu.memref_slice %arg3[%dma_wait3A_146, %add3A, %scan3A_94, %dma_wait3A_147, %dma_wait3A_148] : memref<2x32x80x1x128xi32, #tpu.memory_space<hbm>> -> memref<1x1x1x1x128xi32, #tpu.memory_space<hbm>>
        %dma_wait3A_150 = tpu.memref_squeeze %dma_wait3A_149 : memref<1x1x1x1x128xi32, #tpu.memory_space<hbm>> -> memref<1x128xi32, #tpu.memory_space<hbm>>
        %dma_wait3A_151 = arith.constant 0 : i32
        %dma_wait3A_152 = arith.constant 0 : i32
        %dma_wait3A_153 = tpu.memref_slice %arg3[%dma_wait3A_146, %add3A, %scan3A_94, %dma_wait3A_151, %dma_wait3A_152] : memref<2x32x80x1x128xi32, #tpu.memory_space<hbm>> -> memref<1x1x1x1x128xi32, #tpu.memory_space<hbm>>
        %dma_wait3A_154 = tpu.memref_squeeze %dma_wait3A_153 : memref<1x1x1x1x128xi32, #tpu.memory_space<hbm>> -> memref<1x128xi32, #tpu.memory_space<hbm>>
        tpu.wait_dma2 semaphore(%arg16 : memref<!tpu.dma_semaphore, #tpu.memory_space<semaphore_mem>>) src(%dma_wait3A_154 : memref<1x128xi32, #tpu.memory_space<hbm>>) dst(%arg10 : memref<1x128xi32, #tpu.memory_space<vmem>>)
        %dma_start3A_155 = arith.constant 0 : i32
        %dma_start3A_156 = arith.constant 0 : i32
        %dma_start3A_157 = tpu.memref_slice %arg10[%dma_start3A_155, %dma_start3A_156] : memref<1x128xi32, #tpu.memory_space<vmem>> -> memref<1x128xi32, #tpu.memory_space<vmem>>
        %dma_start3A_158 = tpu.memref_squeeze %dma_start3A_157 : memref<1x128xi32, #tpu.memory_space<vmem>> -> memref<128xi32, #tpu.memory_space<vmem>>
        %dma_start3A_159 = arith.constant 0 : i32
        %dma_start3A_160 = arith.constant 0 : i32
        %dma_start3A_161 = tpu.memref_slice %arg6[%dma_start3A_159, %dma_start3A_160] : memref<10008x128xf32, #tpu.memory_space<vmem_shared>> -> memref<10008x128xf32, #tpu.memory_space<vmem_shared>>
        tpu.enqueue_indirect_dma source(%arg12 : memref<128x128xf32, #tpu.memory_space<vmem>>) target(%dma_start3A_161 : memref<10008x128xf32, #tpu.memory_space<vmem_shared>>) offsets(%dma_start3A_158 : memref<128xi32, #tpu.memory_space<vmem>>) semaphore(%arg20 : memref<!tpu.dma_semaphore, #tpu.memory_space<semaphore_mem>>) {add = true}
        %add3A_162 = arith.constant 2 : i32
        %add3A_163 = arith.addi %scan3A_94, %add3A_162 : i32
        %lt3A_164 = arith.constant 80 : i32
        %lt3A_165 = arith.cmpi slt, %add3A_163, %lt3A_164 : i32
        %convert_element_type3A_166 = arith.extui %lt3A_165 : i1 to i32
        %cond3A_167 = arith.constant 0 : i32
        %cond3A_168 = arith.cmpi ne, %convert_element_type3A_166, %cond3A_167 : i32
        scf.if %cond3A_168 {
          %add3A_169 = arith.constant 2 : i32
          %add3A_170 = arith.addi %scan3A_94, %add3A_169 : i32
          %dma_start3A_171 = arith.constant 0 : i32
          %dma_start3A_172 = arith.constant 0 : i32
          %dma_start3A_173 = arith.constant 0 : i32
          %dma_start3A_174 = tpu.memref_slice %arg3[%dma_start3A_171, %add3A, %add3A_170, %dma_start3A_172, %dma_start3A_173] : memref<2x32x80x1x128xi32, #tpu.memory_space<hbm>> -> memref<1x1x1x1x128xi32, #tpu.memory_space<hbm>>
          %dma_start3A_175 = tpu.memref_squeeze %dma_start3A_174 : memref<1x1x1x1x128xi32, #tpu.memory_space<hbm>> -> memref<1x128xi32, #tpu.memory_space<hbm>>
          %dma_start3A_176 = arith.constant 0 : i32
          %dma_start3A_177 = arith.constant 0 : i32
          %dma_start3A_178 = tpu.memref_slice %arg3[%dma_start3A_171, %add3A, %add3A_170, %dma_start3A_176, %dma_start3A_177] : memref<2x32x80x1x128xi32, #tpu.memory_space<hbm>> -> memref<1x1x1x1x128xi32, #tpu.memory_space<hbm>>
          %dma_start3A_179 = tpu.memref_squeeze %dma_start3A_178 : memref<1x1x1x1x128xi32, #tpu.memory_space<hbm>> -> memref<1x128xi32, #tpu.memory_space<hbm>>
          tpu.enqueue_dma source(%dma_start3A_179 : memref<1x128xi32, #tpu.memory_space<hbm>>) target(%arg8 : memref<1x128xi32, #tpu.memory_space<vmem>>) target_semaphore(%arg14 : memref<!tpu.dma_semaphore, #tpu.memory_space<semaphore_mem>>)
        } else {
        }
      } else {
      }
    }
    %scan3A_68 = arith.constant 80 : i32
    %dma_wait3A_69 = arith.constant 0 : i32
    %dma_wait3A_70 = arith.constant 0 : i32
    %dma_wait3A_71 = tpu.memref_slice %arg9[%dma_wait3A_69, %dma_wait3A_70] : memref<1x128xi32, #tpu.memory_space<vmem>> -> memref<1x128xi32, #tpu.memory_space<vmem>>
    %dma_wait3A_72 = tpu.memref_squeeze %dma_wait3A_71 : memref<1x128xi32, #tpu.memory_space<vmem>> -> memref<128xi32, #tpu.memory_space<vmem>>
    %dma_wait3A_73 = arith.constant 0 : i32
    %dma_wait3A_74 = arith.constant 0 : i32
    %dma_wait3A_75 = tpu.memref_slice %arg6[%dma_wait3A_73, %dma_wait3A_74] : memref<10008x128xf32, #tpu.memory_space<vmem_shared>> -> memref<10008x128xf32, #tpu.memory_space<vmem_shared>>
    tpu.wait_indirect_dma semaphore(%arg19 : memref<!tpu.dma_semaphore, #tpu.memory_space<semaphore_mem>>) src(%arg11 : memref<128x128xf32, #tpu.memory_space<vmem>>) dst(%dma_wait3A_75 : memref<10008x128xf32, #tpu.memory_space<vmem_shared>>)
    %dma_wait3A_76 = arith.constant 0 : i32
    %dma_wait3A_77 = arith.constant 0 : i32
    %dma_wait3A_78 = tpu.memref_slice %arg10[%dma_wait3A_76, %dma_wait3A_77] : memref<1x128xi32, #tpu.memory_space<vmem>> -> memref<1x128xi32, #tpu.memory_space<vmem>>
    %dma_wait3A_79 = tpu.memref_squeeze %dma_wait3A_78 : memref<1x128xi32, #tpu.memory_space<vmem>> -> memref<128xi32, #tpu.memory_space<vmem>>
    %dma_wait3A_80 = arith.constant 0 : i32
    %dma_wait3A_81 = arith.constant 0 : i32
    %dma_wait3A_82 = tpu.memref_slice %arg6[%dma_wait3A_80, %dma_wait3A_81] : memref<10008x128xf32, #tpu.memory_space<vmem_shared>> -> memref<10008x128xf32, #tpu.memory_space<vmem_shared>>
    tpu.wait_indirect_dma semaphore(%arg20 : memref<!tpu.dma_semaphore, #tpu.memory_space<semaphore_mem>>) src(%arg12 : memref<128x128xf32, #tpu.memory_space<vmem>>) dst(%dma_wait3A_82 : memref<10008x128xf32, #tpu.memory_space<vmem_shared>>)
    %barrier3A_83 = arith.constant 0 : index
    tpu.barrier barrier_id(%barrier3A_83)
    %lt3A_84 = arith.constant 15 : i32
    %lt3A_85 = arith.cmpi slt, %arg1, %lt3A_84 : i32
    %convert_element_type3A_86 = arith.extui %lt3A_85 : i1 to i32
    %cond3A_87 = arith.constant 0 : i32
    %cond3A_88 = arith.cmpi ne, %convert_element_type3A_86, %cond3A_87 : i32
    scf.if %cond3A_88 {
      "tpu.region"() ({
        %run_scoped3A = tpu.sem_alloc : memref<!tpu.dma_semaphore, #tpu.memory_space<semaphore_mem>>
        %dma_start3A_94 = arith.constant 0 : i32
        %dma_start3A_95 = tpu.memref_slice %arg5[%arg0, %multiple_of3A, %dma_start3A_94] : memref<2x10000x128xf32, #tpu.memory_space<hbm>> -> memref<1x632x128xf32, #tpu.memory_space<hbm>>
        %dma_start3A_96 = tpu.memref_squeeze %dma_start3A_95 : memref<1x632x128xf32, #tpu.memory_space<hbm>> -> memref<632x128xf32, #tpu.memory_space<hbm>>
        %dma_start3A_97 = arith.constant 0 : i32
        %dma_start3A_98 = tpu.memref_slice %arg6[%multiple_of3A, %dma_start3A_97] : memref<10008x128xf32, #tpu.memory_space<vmem_shared>> -> memref<632x128xf32, #tpu.memory_space<vmem_shared>>
        tpu.enqueue_dma source(%dma_start3A_98 : memref<632x128xf32, #tpu.memory_space<vmem_shared>>) target(%dma_start3A_96 : memref<632x128xf32, #tpu.memory_space<hbm>>) target_semaphore(%run_scoped3A : memref<!tpu.dma_semaphore, #tpu.memory_space<semaphore_mem>>)
        %dma_wait3A_99 = arith.constant 0 : i32
        %dma_wait3A_100 = tpu.memref_slice %arg5[%arg0, %multiple_of3A, %dma_wait3A_99] : memref<2x10000x128xf32, #tpu.memory_space<hbm>> -> memref<1x632x128xf32, #tpu.memory_space<hbm>>
        %dma_wait3A_101 = tpu.memref_squeeze %dma_wait3A_100 : memref<1x632x128xf32, #tpu.memory_space<hbm>> -> memref<632x128xf32, #tpu.memory_space<hbm>>
        %dma_wait3A_102 = arith.constant 0 : i32
        %dma_wait3A_103 = tpu.memref_slice %arg6[%multiple_of3A, %dma_wait3A_102] : memref<10008x128xf32, #tpu.memory_space<vmem_shared>> -> memref<632x128xf32, #tpu.memory_space<vmem_shared>>
        tpu.wait_dma2 semaphore(%run_scoped3A : memref<!tpu.dma_semaphore, #tpu.memory_space<semaphore_mem>>) src(%dma_wait3A_103 : memref<632x128xf32, #tpu.memory_space<vmem_shared>>) dst(%dma_wait3A_101 : memref<632x128xf32, #tpu.memory_space<hbm>>)
        tpu.yield
      }) : () -> ()
    } else {
    }
    %eq3A_89 = arith.constant 15 : i32
    %eq3A_90 = arith.cmpi eq, %arg1, %eq3A_89 : i32
    %convert_element_type3A_91 = arith.extui %eq3A_90 : i1 to i32
    %cond3A_92 = arith.constant 0 : i32
    %cond3A_93 = arith.cmpi ne, %convert_element_type3A_91, %cond3A_92 : i32
    scf.if %cond3A_93 {
      "tpu.region"() ({
        %run_scoped3A = tpu.sem_alloc : memref<!tpu.dma_semaphore, #tpu.memory_space<semaphore_mem>>
        %dma_start3A_94 = arith.constant 0 : i32
        %dma_start3A_95 = tpu.memref_slice %arg5[%arg0, %multiple_of3A, %dma_start3A_94] : memref<2x10000x128xf32, #tpu.memory_space<hbm>> -> memref<1x520x128xf32, #tpu.memory_space<hbm>>
        %dma_start3A_96 = tpu.memref_squeeze %dma_start3A_95 : memref<1x520x128xf32, #tpu.memory_space<hbm>> -> memref<520x128xf32, #tpu.memory_space<hbm>>
        %dma_start3A_97 = arith.constant 0 : i32
        %dma_start3A_98 = tpu.memref_slice %arg6[%multiple_of3A, %dma_start3A_97] : memref<10008x128xf32, #tpu.memory_space<vmem_shared>> -> memref<520x128xf32, #tpu.memory_space<vmem_shared>>
        tpu.enqueue_dma source(%dma_start3A_98 : memref<520x128xf32, #tpu.memory_space<vmem_shared>>) target(%dma_start3A_96 : memref<520x128xf32, #tpu.memory_space<hbm>>) target_semaphore(%run_scoped3A : memref<!tpu.dma_semaphore, #tpu.memory_space<semaphore_mem>>)
        %dma_wait3A_99 = arith.constant 0 : i32
        %dma_wait3A_100 = tpu.memref_slice %arg5[%arg0, %multiple_of3A, %dma_wait3A_99] : memref<2x10000x128xf32, #tpu.memory_space<hbm>> -> memref<1x520x128xf32, #tpu.memory_space<hbm>>
        %dma_wait3A_101 = tpu.memref_squeeze %dma_wait3A_100 : memref<1x520x128xf32, #tpu.memory_space<hbm>> -> memref<520x128xf32, #tpu.memory_space<hbm>>
        %dma_wait3A_102 = arith.constant 0 : i32
        %dma_wait3A_103 = tpu.memref_slice %arg6[%multiple_of3A, %dma_wait3A_102] : memref<10008x128xf32, #tpu.memory_space<vmem_shared>> -> memref<520x128xf32, #tpu.memory_space<vmem_shared>>
        tpu.wait_dma2 semaphore(%run_scoped3A : memref<!tpu.dma_semaphore, #tpu.memory_space<semaphore_mem>>) src(%dma_wait3A_103 : memref<520x128xf32, #tpu.memory_space<vmem_shared>>) dst(%dma_wait3A_101 : memref<520x128xf32, #tpu.memory_space<hbm>>)
        tpu.yield
      }) : () -> ()
    } else {
    }
    return
  }
}

#map = affine_map<(d0, d1) -> (0, 0)>
#map1 = affine_map<(d0, d1) -> (0, 0, 0, 0, 0)>
#map2 = affine_map<(d0, d1) -> (0, 0, 0)>
module attributes {stable_mosaic.version = 14 : i64} {
  func.func @_edge_body(%arg0: i32, %arg1: i32, %arg2: memref<10000x128xf32, #tpu.memory_space<hbm>>, %arg3: memref<2x32x80x1x128xi32, #tpu.memory_space<hbm>>, %arg4: memref<632x128xf32, #tpu.memory_space<hbm>>, %arg5: memref<2x10000x128xf32, #tpu.memory_space<hbm>>, %arg6: memref<10008x128xf32, #tpu.memory_space<vmem_shared>>, %arg7: memref<1x128xi32, #tpu.memory_space<vmem>>, %arg8: memref<1x128xi32, #tpu.memory_space<vmem>>, %arg9: memref<1x128xi32, #tpu.memory_space<vmem>>, %arg10: memref<1x128xi32, #tpu.memory_space<vmem>>, %arg11: memref<128x128xf32, #tpu.memory_space<vmem>>, %arg12: memref<128x128xf32, #tpu.memory_space<vmem>>, %arg13: memref<!tpu.dma_semaphore, #tpu.memory_space<semaphore_mem>>, %arg14: memref<!tpu.dma_semaphore, #tpu.memory_space<semaphore_mem>>, %arg15: memref<!tpu.dma_semaphore, #tpu.memory_space<semaphore_mem>>, %arg16: memref<!tpu.dma_semaphore, #tpu.memory_space<semaphore_mem>>, %arg17: memref<!tpu.dma_semaphore, #tpu.memory_space<semaphore_mem>>, %arg18: memref<!tpu.dma_semaphore, #tpu.memory_space<semaphore_mem>>, %arg19: memref<!tpu.dma_semaphore, #tpu.memory_space<semaphore_mem>>, %arg20: memref<!tpu.dma_semaphore, #tpu.memory_space<semaphore_mem>>) attributes {dimension_semantics = [#tpu.dimension_semantics<core_parallel>, #tpu.dimension_semantics<subcore_parallel>], iteration_bounds = array<i64: 2, 16>, scalar_prefetch = 0 : i64, scratch_operands = 15 : i64, tpu.core_type = #tpu.core_type<sc_vector_subcore>, window_params = [{transform_indices = #map}, {transform_indices = #map1}, {transform_indices = #map}, {transform_indices = #map2}]} {
    %mul3A = arith.constant 16 : i32
    %mul3A_0 = arith.muli %arg0, %mul3A : i32
    %add3A = arith.addi %mul3A_0, %arg1 : i32
    %mul3A_1 = arith.constant 632 : i32
    %mul3A_2 = arith.muli %arg1, %mul3A_1 : i32
    %multiple_of3A = tpu.assume_multiple %mul3A_2, 8 : i32
    %dma_start3A = arith.constant 0 : i32
    %dma_start3A_3 = arith.constant 0 : i32
    %dma_start3A_4 = arith.constant 0 : i32
    %dma_start3A_5 = arith.constant 0 : i32
    %dma_start3A_6 = tpu.memref_slice %arg3[%dma_start3A, %add3A, %dma_start3A_3, %dma_start3A_4, %dma_start3A_5] : memref<2x32x80x1x128xi32, #tpu.memory_space<hbm>> -> memref<1x1x1x1x128xi32, #tpu.memory_space<hbm>>
    %dma_start3A_7 = tpu.memref_squeeze %dma_start3A_6 : memref<1x1x1x1x128xi32, #tpu.memory_space<hbm>> -> memref<1x128xi32, #tpu.memory_space<hbm>>
    %dma_start3A_8 = arith.constant 0 : i32
    %dma_start3A_9 = arith.constant 0 : i32
    %dma_start3A_10 = tpu.memref_slice %arg3[%dma_start3A, %add3A, %dma_start3A_3, %dma_start3A_8, %dma_start3A_9] : memref<2x32x80x1x128xi32, #tpu.memory_space<hbm>> -> memref<1x1x1x1x128xi32, #tpu.memory_space<hbm>>
    %dma_start3A_11 = tpu.memref_squeeze %dma_start3A_10 : memref<1x1x1x1x128xi32, #tpu.memory_space<hbm>> -> memref<1x128xi32, #tpu.memory_space<hbm>>
    tpu.enqueue_dma source(%dma_start3A_11 : memref<1x128xi32, #tpu.memory_space<hbm>>) target(%arg7 : memref<1x128xi32, #tpu.memory_space<vmem>>) target_semaphore(%arg13 : memref<!tpu.dma_semaphore, #tpu.memory_space<semaphore_mem>>)
    %dma_start3A_12 = arith.constant 0 : i32
    %dma_start3A_13 = arith.constant 1 : i32
    %dma_start3A_14 = arith.constant 0 : i32
    %dma_start3A_15 = arith.constant 0 : i32
    %dma_start3A_16 = tpu.memref_slice %arg3[%dma_start3A_12, %add3A, %dma_start3A_13, %dma_start3A_14, %dma_start3A_15] : memref<2x32x80x1x128xi32, #tpu.memory_space<hbm>> -> memref<1x1x1x1x128xi32, #tpu.memory_space<hbm>>
    %dma_start3A_17 = tpu.memref_squeeze %dma_start3A_16 : memref<1x1x1x1x128xi32, #tpu.memory_space<hbm>> -> memref<1x128xi32, #tpu.memory_space<hbm>>
    %dma_start3A_18 = arith.constant 0 : i32
    %dma_start3A_19 = arith.constant 0 : i32
    %dma_start3A_20 = tpu.memref_slice %arg3[%dma_start3A_12, %add3A, %dma_start3A_13, %dma_start3A_18, %dma_start3A_19] : memref<2x32x80x1x128xi32, #tpu.memory_space<hbm>> -> memref<1x1x1x1x128xi32, #tpu.memory_space<hbm>>
    %dma_start3A_21 = tpu.memref_squeeze %dma_start3A_20 : memref<1x1x1x1x128xi32, #tpu.memory_space<hbm>> -> memref<1x128xi32, #tpu.memory_space<hbm>>
    tpu.enqueue_dma source(%dma_start3A_21 : memref<1x128xi32, #tpu.memory_space<hbm>>) target(%arg8 : memref<1x128xi32, #tpu.memory_space<vmem>>) target_semaphore(%arg14 : memref<!tpu.dma_semaphore, #tpu.memory_space<semaphore_mem>>)
    %dma_start3A_22 = arith.constant 1 : i32
    %dma_start3A_23 = arith.constant 0 : i32
    %dma_start3A_24 = arith.constant 0 : i32
    %dma_start3A_25 = arith.constant 0 : i32
    %dma_start3A_26 = tpu.memref_slice %arg3[%dma_start3A_22, %add3A, %dma_start3A_23, %dma_start3A_24, %dma_start3A_25] : memref<2x32x80x1x128xi32, #tpu.memory_space<hbm>> -> memref<1x1x1x1x128xi32, #tpu.memory_space<hbm>>
    %dma_start3A_27 = tpu.memref_squeeze %dma_start3A_26 : memref<1x1x1x1x128xi32, #tpu.memory_space<hbm>> -> memref<1x128xi32, #tpu.memory_space<hbm>>
    %dma_start3A_28 = arith.constant 0 : i32
    %dma_start3A_29 = arith.constant 0 : i32
    %dma_start3A_30 = tpu.memref_slice %arg3[%dma_start3A_22, %add3A, %dma_start3A_23, %dma_start3A_28, %dma_start3A_29] : memref<2x32x80x1x128xi32, #tpu.memory_space<hbm>> -> memref<1x1x1x1x128xi32, #tpu.memory_space<hbm>>
    %dma_start3A_31 = tpu.memref_squeeze %dma_start3A_30 : memref<1x1x1x1x128xi32, #tpu.memory_space<hbm>> -> memref<1x128xi32, #tpu.memory_space<hbm>>
    tpu.enqueue_dma source(%dma_start3A_31 : memref<1x128xi32, #tpu.memory_space<hbm>>) target(%arg9 : memref<1x128xi32, #tpu.memory_space<vmem>>) target_semaphore(%arg15 : memref<!tpu.dma_semaphore, #tpu.memory_space<semaphore_mem>>)
    %dma_start3A_32 = arith.constant 1 : i32
    %dma_start3A_33 = arith.constant 1 : i32
    %dma_start3A_34 = arith.constant 0 : i32
    %dma_start3A_35 = arith.constant 0 : i32
    %dma_start3A_36 = tpu.memref_slice %arg3[%dma_start3A_32, %add3A, %dma_start3A_33, %dma_start3A_34, %dma_start3A_35] : memref<2x32x80x1x128xi32, #tpu.memory_space<hbm>> -> memref<1x1x1x1x128xi32, #tpu.memory_space<hbm>>
    %dma_start3A_37 = tpu.memref_squeeze %dma_start3A_36 : memref<1x1x1x1x128xi32, #tpu.memory_space<hbm>> -> memref<1x128xi32, #tpu.memory_space<hbm>>
    %dma_start3A_38 = arith.constant 0 : i32
    %dma_start3A_39 = arith.constant 0 : i32
    %dma_start3A_40 = tpu.memref_slice %arg3[%dma_start3A_32, %add3A, %dma_start3A_33, %dma_start3A_38, %dma_start3A_39] : memref<2x32x80x1x128xi32, #tpu.memory_space<hbm>> -> memref<1x1x1x1x128xi32, #tpu.memory_space<hbm>>
    %dma_start3A_41 = tpu.memref_squeeze %dma_start3A_40 : memref<1x1x1x1x128xi32, #tpu.memory_space<hbm>> -> memref<1x128xi32, #tpu.memory_space<hbm>>
    tpu.enqueue_dma source(%dma_start3A_41 : memref<1x128xi32, #tpu.memory_space<hbm>>) target(%arg10 : memref<1x128xi32, #tpu.memory_space<vmem>>) target_semaphore(%arg16 : memref<!tpu.dma_semaphore, #tpu.memory_space<semaphore_mem>>)
    %dma_wait3A = arith.constant 0 : i32
    %dma_wait3A_42 = arith.constant 0 : i32
    %dma_wait3A_43 = arith.constant 0 : i32
    %dma_wait3A_44 = arith.constant 0 : i32
    %dma_wait3A_45 = tpu.memref_slice %arg3[%dma_wait3A, %add3A, %dma_wait3A_42, %dma_wait3A_43, %dma_wait3A_44] : memref<2x32x80x1x128xi32, #tpu.memory_space<hbm>> -> memref<1x1x1x1x128xi32, #tpu.memory_space<hbm>>
    %dma_wait3A_46 = tpu.memref_squeeze %dma_wait3A_45 : memref<1x1x1x1x128xi32, #tpu.memory_space<hbm>> -> memref<1x128xi32, #tpu.memory_space<hbm>>
    %dma_wait3A_47 = arith.constant 0 : i32
    %dma_wait3A_48 = arith.constant 0 : i32
    %dma_wait3A_49 = tpu.memref_slice %arg3[%dma_wait3A, %add3A, %dma_wait3A_42, %dma_wait3A_47, %dma_wait3A_48] : memref<2x32x80x1x128xi32, #tpu.memory_space<hbm>> -> memref<1x1x1x1x128xi32, #tpu.memory_space<hbm>>
    %dma_wait3A_50 = tpu.memref_squeeze %dma_wait3A_49 : memref<1x1x1x1x128xi32, #tpu.memory_space<hbm>> -> memref<1x128xi32, #tpu.memory_space<hbm>>
    tpu.wait_dma2 semaphore(%arg13 : memref<!tpu.dma_semaphore, #tpu.memory_space<semaphore_mem>>) src(%dma_wait3A_50 : memref<1x128xi32, #tpu.memory_space<hbm>>) dst(%arg7 : memref<1x128xi32, #tpu.memory_space<vmem>>)
    %dma_start3A_51 = arith.constant 0 : i32
    %dma_start3A_52 = arith.constant 0 : i32
    %dma_start3A_53 = tpu.memref_slice %arg7[%dma_start3A_51, %dma_start3A_52] : memref<1x128xi32, #tpu.memory_space<vmem>> -> memref<1x128xi32, #tpu.memory_space<vmem>>
    %dma_start3A_54 = tpu.memref_squeeze %dma_start3A_53 : memref<1x128xi32, #tpu.memory_space<vmem>> -> memref<128xi32, #tpu.memory_space<vmem>>
    %dma_start3A_55 = arith.constant 0 : i32
    %dma_start3A_56 = arith.constant 0 : i32
    %dma_start3A_57 = tpu.memref_slice %arg2[%dma_start3A_55, %dma_start3A_56] : memref<10000x128xf32, #tpu.memory_space<hbm>> -> memref<10000x128xf32, #tpu.memory_space<hbm>>
    tpu.enqueue_indirect_dma source(%dma_start3A_57 : memref<10000x128xf32, #tpu.memory_space<hbm>>) target(%arg11 : memref<128x128xf32, #tpu.memory_space<vmem>>) offsets(%dma_start3A_54 : memref<128xi32, #tpu.memory_space<vmem>>) semaphore(%arg17 : memref<!tpu.dma_semaphore, #tpu.memory_space<semaphore_mem>>)
    %lt3A = arith.constant 15 : i32
    %lt3A_58 = arith.cmpi slt, %arg1, %lt3A : i32
    %convert_element_type3A = arith.extui %lt3A_58 : i1 to i32
    %cond3A = arith.constant 0 : i32
    %cond3A_59 = arith.cmpi ne, %convert_element_type3A, %cond3A : i32
    scf.if %cond3A_59 {
      "tpu.region"() ({
        %run_scoped3A = tpu.sem_alloc : memref<!tpu.dma_semaphore, #tpu.memory_space<semaphore_mem>>
        %dma_start3A_94 = arith.constant 0 : i32
        %dma_start3A_95 = tpu.memref_slice %arg6[%multiple_of3A, %dma_start3A_94] : memref<10008x128xf32, #tpu.memory_space<vmem_shared>> -> memref<632x128xf32, #tpu.memory_space<vmem_shared>>
        %dma_start3A_96 = arith.constant 0 : i32
        %dma_start3A_97 = arith.constant 0 : i32
        %dma_start3A_98 = tpu.memref_slice %arg4[%dma_start3A_96, %dma_start3A_97] : memref<632x128xf32, #tpu.memory_space<hbm>> -> memref<632x128xf32, #tpu.memory_space<hbm>>
        tpu.enqueue_dma source(%dma_start3A_98 : memref<632x128xf32, #tpu.memory_space<hbm>>) target(%dma_start3A_95 : memref<632x128xf32, #tpu.memory_space<vmem_shared>>) target_semaphore(%run_scoped3A : memref<!tpu.dma_semaphore, #tpu.memory_space<semaphore_mem>>)
        %dma_wait3A_99 = arith.constant 0 : i32
        %dma_wait3A_100 = tpu.memref_slice %arg6[%multiple_of3A, %dma_wait3A_99] : memref<10008x128xf32, #tpu.memory_space<vmem_shared>> -> memref<632x128xf32, #tpu.memory_space<vmem_shared>>
        %dma_wait3A_101 = arith.constant 0 : i32
        %dma_wait3A_102 = arith.constant 0 : i32
        %dma_wait3A_103 = tpu.memref_slice %arg4[%dma_wait3A_101, %dma_wait3A_102] : memref<632x128xf32, #tpu.memory_space<hbm>> -> memref<632x128xf32, #tpu.memory_space<hbm>>
        tpu.wait_dma2 semaphore(%run_scoped3A : memref<!tpu.dma_semaphore, #tpu.memory_space<semaphore_mem>>) src(%dma_wait3A_103 : memref<632x128xf32, #tpu.memory_space<hbm>>) dst(%dma_wait3A_100 : memref<632x128xf32, #tpu.memory_space<vmem_shared>>)
        tpu.yield
      }) : () -> ()
    } else {
    }
    %eq3A = arith.constant 15 : i32
    %eq3A_60 = arith.cmpi eq, %arg1, %eq3A : i32
    %convert_element_type3A_61 = arith.extui %eq3A_60 : i1 to i32
    %cond3A_62 = arith.constant 0 : i32
    %cond3A_63 = arith.cmpi ne, %convert_element_type3A_61, %cond3A_62 : i32
    scf.if %cond3A_63 {
      "tpu.region"() ({
        %run_scoped3A = tpu.sem_alloc : memref<!tpu.dma_semaphore, #tpu.memory_space<semaphore_mem>>
        %dma_start3A_94 = arith.constant 0 : i32
        %dma_start3A_95 = tpu.memref_slice %arg6[%multiple_of3A, %dma_start3A_94] : memref<10008x128xf32, #tpu.memory_space<vmem_shared>> -> memref<520x128xf32, #tpu.memory_space<vmem_shared>>
        %dma_start3A_96 = arith.constant 0 : i32
        %dma_start3A_97 = arith.constant 0 : i32
        %dma_start3A_98 = tpu.memref_slice %arg4[%dma_start3A_96, %dma_start3A_97] : memref<632x128xf32, #tpu.memory_space<hbm>> -> memref<520x128xf32, #tpu.memory_space<hbm>>
        tpu.enqueue_dma source(%dma_start3A_98 : memref<520x128xf32, #tpu.memory_space<hbm>>) target(%dma_start3A_95 : memref<520x128xf32, #tpu.memory_space<vmem_shared>>) target_semaphore(%run_scoped3A : memref<!tpu.dma_semaphore, #tpu.memory_space<semaphore_mem>>)
        %dma_wait3A_99 = arith.constant 0 : i32
        %dma_wait3A_100 = tpu.memref_slice %arg6[%multiple_of3A, %dma_wait3A_99] : memref<10008x128xf32, #tpu.memory_space<vmem_shared>> -> memref<520x128xf32, #tpu.memory_space<vmem_shared>>
        %dma_wait3A_101 = arith.constant 0 : i32
        %dma_wait3A_102 = arith.constant 0 : i32
        %dma_wait3A_103 = tpu.memref_slice %arg4[%dma_wait3A_101, %dma_wait3A_102] : memref<632x128xf32, #tpu.memory_space<hbm>> -> memref<520x128xf32, #tpu.memory_space<hbm>>
        tpu.wait_dma2 semaphore(%run_scoped3A : memref<!tpu.dma_semaphore, #tpu.memory_space<semaphore_mem>>) src(%dma_wait3A_103 : memref<520x128xf32, #tpu.memory_space<hbm>>) dst(%dma_wait3A_100 : memref<520x128xf32, #tpu.memory_space<vmem_shared>>)
        tpu.yield
      }) : () -> ()
    } else {
    }
    %barrier3A = arith.constant 0 : index
    tpu.barrier barrier_id(%barrier3A)
    %scan3A = arith.constant 0 : i32
    %scan3A_64 = arith.constant 0 : i32
    %scan3A_65 = arith.constant 80 : i32
    %scan3A_66 = arith.addi %scan3A_64, %scan3A_65 : i32
    %scan3A_67 = arith.constant 1 : i32
    scf.for %scan3A_94 = %scan3A_64 to %scan3A_66 step %scan3A_67  : i32 {
      %jit3A = arith.constant 2 : i32
      %eq3A_95 = arith.constant 0 : i32
      %eq3A_96 = arith.cmpi eq, %jit3A, %eq3A_95 : i32
      %jit3A_97 = arith.constant 1 : i32
      %select_n3A = arith.select %eq3A_96, %jit3A_97, %jit3A : i32
      %rem3A = arith.remsi %scan3A_94, %select_n3A : i32
      %ne3A = arith.constant 0 : i32
      %ne3A_98 = arith.cmpi ne, %rem3A, %ne3A : i32
      %lt3A_99 = arith.constant 0 : i32
      %lt3A_100 = arith.cmpi slt, %rem3A, %lt3A_99 : i32
      %lt3A_101 = arith.constant 0 : i32
      %lt3A_102 = arith.cmpi slt, %select_n3A, %lt3A_101 : i32
      %ne3A_103 = arith.xori %lt3A_100, %lt3A_102 : i1
      %and3A = arith.andi %ne3A_103, %ne3A_98 : i1
      %add3A_104 = arith.addi %rem3A, %select_n3A : i32
      %select_n3A_105 = arith.select %and3A, %add3A_104, %rem3A : i32
      %eq3A_106 = arith.constant 0 : i32
      %eq3A_107 = arith.cmpi eq, %select_n3A_105, %eq3A_106 : i32
      %convert_element_type3A_108 = arith.extui %eq3A_107 : i1 to i32
      %cond3A_109 = arith.constant 0 : i32
      %cond3A_110 = arith.cmpi ne, %convert_element_type3A_108, %cond3A_109 : i32
      scf.if %cond3A_110 {
        %add3A_132 = arith.constant 1 : i32
        %add3A_133 = arith.addi %scan3A_94, %add3A_132 : i32
        %lt3A_134 = arith.constant 80 : i32
        %lt3A_135 = arith.cmpi slt, %add3A_133, %lt3A_134 : i32
        %convert_element_type3A_136 = arith.extui %lt3A_135 : i1 to i32
        %cond3A_137 = arith.constant 0 : i32
        %cond3A_138 = arith.cmpi ne, %convert_element_type3A_136, %cond3A_137 : i32
        scf.if %cond3A_138 {
          %ge3A = arith.constant 1 : i32
          %ge3A_169 = arith.cmpi sge, %scan3A_94, %ge3A : i32
          %convert_element_type3A_170 = arith.extui %ge3A_169 : i1 to i32
          %cond3A_171 = arith.constant 0 : i32
          %cond3A_172 = arith.cmpi ne, %convert_element_type3A_170, %cond3A_171 : i32
          scf.if %cond3A_172 {
            %dma_wait3A_198 = arith.constant 0 : i32
            %dma_wait3A_199 = arith.constant 0 : i32
            %dma_wait3A_200 = tpu.memref_slice %arg10[%dma_wait3A_198, %dma_wait3A_199] : memref<1x128xi32, #tpu.memory_space<vmem>> -> memref<1x128xi32, #tpu.memory_space<vmem>>
            %dma_wait3A_201 = tpu.memref_squeeze %dma_wait3A_200 : memref<1x128xi32, #tpu.memory_space<vmem>> -> memref<128xi32, #tpu.memory_space<vmem>>
            %dma_wait3A_202 = arith.constant 0 : i32
            %dma_wait3A_203 = arith.constant 0 : i32
            %dma_wait3A_204 = tpu.memref_slice %arg6[%dma_wait3A_202, %dma_wait3A_203] : memref<10008x128xf32, #tpu.memory_space<vmem_shared>> -> memref<10008x128xf32, #tpu.memory_space<vmem_shared>>
            tpu.wait_indirect_dma semaphore(%arg20 : memref<!tpu.dma_semaphore, #tpu.memory_space<semaphore_mem>>) src(%arg12 : memref<128x128xf32, #tpu.memory_space<vmem>>) dst(%dma_wait3A_204 : memref<10008x128xf32, #tpu.memory_space<vmem_shared>>)
          } else {
          }
          %add3A_173 = arith.constant 1 : i32
          %add3A_174 = arith.addi %scan3A_94, %add3A_173 : i32
          %ge3A_175 = arith.constant 2 : i32
          %ge3A_176 = arith.cmpi sge, %add3A_174, %ge3A_175 : i32
          %convert_element_type3A_177 = arith.extui %ge3A_176 : i1 to i32
          %cond3A_178 = arith.constant 0 : i32
          %cond3A_179 = arith.cmpi ne, %convert_element_type3A_177, %cond3A_178 : i32
          scf.if %cond3A_179 {
            %add3A_198 = arith.constant 1 : i32
            %add3A_199 = arith.addi %scan3A_94, %add3A_198 : i32
            %dma_start3A_200 = arith.constant 1 : i32
            %dma_start3A_201 = arith.constant 0 : i32
            %dma_start3A_202 = arith.constant 0 : i32
            %dma_start3A_203 = tpu.memref_slice %arg3[%dma_start3A_200, %add3A, %add3A_199, %dma_start3A_201, %dma_start3A_202] : memref<2x32x80x1x128xi32, #tpu.memory_space<hbm>> -> memref<1x1x1x1x128xi32, #tpu.memory_space<hbm>>
            %dma_start3A_204 = tpu.memref_squeeze %dma_start3A_203 : memref<1x1x1x1x128xi32, #tpu.memory_space<hbm>> -> memref<1x128xi32, #tpu.memory_space<hbm>>
            %dma_start3A_205 = arith.constant 0 : i32
            %dma_start3A_206 = arith.constant 0 : i32
            %dma_start3A_207 = tpu.memref_slice %arg3[%dma_start3A_200, %add3A, %add3A_199, %dma_start3A_205, %dma_start3A_206] : memref<2x32x80x1x128xi32, #tpu.memory_space<hbm>> -> memref<1x1x1x1x128xi32, #tpu.memory_space<hbm>>
            %dma_start3A_208 = tpu.memref_squeeze %dma_start3A_207 : memref<1x1x1x1x128xi32, #tpu.memory_space<hbm>> -> memref<1x128xi32, #tpu.memory_space<hbm>>
            tpu.enqueue_dma source(%dma_start3A_208 : memref<1x128xi32, #tpu.memory_space<hbm>>) target(%arg10 : memref<1x128xi32, #tpu.memory_space<vmem>>) target_semaphore(%arg16 : memref<!tpu.dma_semaphore, #tpu.memory_space<semaphore_mem>>)
          } else {
          }
          %add3A_180 = arith.constant 1 : i32
          %add3A_181 = arith.addi %scan3A_94, %add3A_180 : i32
          %dma_wait3A_182 = arith.constant 0 : i32
          %dma_wait3A_183 = arith.constant 0 : i32
          %dma_wait3A_184 = arith.constant 0 : i32
          %dma_wait3A_185 = tpu.memref_slice %arg3[%dma_wait3A_182, %add3A, %add3A_181, %dma_wait3A_183, %dma_wait3A_184] : memref<2x32x80x1x128xi32, #tpu.memory_space<hbm>> -> memref<1x1x1x1x128xi32, #tpu.memory_space<hbm>>
          %dma_wait3A_186 = tpu.memref_squeeze %dma_wait3A_185 : memref<1x1x1x1x128xi32, #tpu.memory_space<hbm>> -> memref<1x128xi32, #tpu.memory_space<hbm>>
          %dma_wait3A_187 = arith.constant 0 : i32
          %dma_wait3A_188 = arith.constant 0 : i32
          %dma_wait3A_189 = tpu.memref_slice %arg3[%dma_wait3A_182, %add3A, %add3A_181, %dma_wait3A_187, %dma_wait3A_188] : memref<2x32x80x1x128xi32, #tpu.memory_space<hbm>> -> memref<1x1x1x1x128xi32, #tpu.memory_space<hbm>>
          %dma_wait3A_190 = tpu.memref_squeeze %dma_wait3A_189 : memref<1x1x1x1x128xi32, #tpu.memory_space<hbm>> -> memref<1x128xi32, #tpu.memory_space<hbm>>
          tpu.wait_dma2 semaphore(%arg14 : memref<!tpu.dma_semaphore, #tpu.memory_space<semaphore_mem>>) src(%dma_wait3A_190 : memref<1x128xi32, #tpu.memory_space<hbm>>) dst(%arg8 : memref<1x128xi32, #tpu.memory_space<vmem>>)
          %dma_start3A_191 = arith.constant 0 : i32
          %dma_start3A_192 = arith.constant 0 : i32
          %dma_start3A_193 = tpu.memref_slice %arg8[%dma_start3A_191, %dma_start3A_192] : memref<1x128xi32, #tpu.memory_space<vmem>> -> memref<1x128xi32, #tpu.memory_space<vmem>>
          %dma_start3A_194 = tpu.memref_squeeze %dma_start3A_193 : memref<1x128xi32, #tpu.memory_space<vmem>> -> memref<128xi32, #tpu.memory_space<vmem>>
          %dma_start3A_195 = arith.constant 0 : i32
          %dma_start3A_196 = arith.constant 0 : i32
          %dma_start3A_197 = tpu.memref_slice %arg2[%dma_start3A_195, %dma_start3A_196] : memref<10000x128xf32, #tpu.memory_space<hbm>> -> memref<10000x128xf32, #tpu.memory_space<hbm>>
          tpu.enqueue_indirect_dma source(%dma_start3A_197 : memref<10000x128xf32, #tpu.memory_space<hbm>>) target(%arg12 : memref<128x128xf32, #tpu.memory_space<vmem>>) offsets(%dma_start3A_194 : memref<128xi32, #tpu.memory_space<vmem>>) semaphore(%arg18 : memref<!tpu.dma_semaphore, #tpu.memory_space<semaphore_mem>>)
        } else {
        }
        %dma_wait3A_139 = arith.constant 0 : i32
        %dma_wait3A_140 = arith.constant 0 : i32
        %dma_wait3A_141 = tpu.memref_slice %arg7[%dma_wait3A_139, %dma_wait3A_140] : memref<1x128xi32, #tpu.memory_space<vmem>> -> memref<1x128xi32, #tpu.memory_space<vmem>>
        %dma_wait3A_142 = tpu.memref_squeeze %dma_wait3A_141 : memref<1x128xi32, #tpu.memory_space<vmem>> -> memref<128xi32, #tpu.memory_space<vmem>>
        %dma_wait3A_143 = arith.constant 0 : i32
        %dma_wait3A_144 = arith.constant 0 : i32
        %dma_wait3A_145 = tpu.memref_slice %arg2[%dma_wait3A_143, %dma_wait3A_144] : memref<10000x128xf32, #tpu.memory_space<hbm>> -> memref<10000x128xf32, #tpu.memory_space<hbm>>
        tpu.wait_indirect_dma semaphore(%arg17 : memref<!tpu.dma_semaphore, #tpu.memory_space<semaphore_mem>>) src(%dma_wait3A_145 : memref<10000x128xf32, #tpu.memory_space<hbm>>) dst(%arg11 : memref<128x128xf32, #tpu.memory_space<vmem>>)
        %dma_wait3A_146 = arith.constant 1 : i32
        %dma_wait3A_147 = arith.constant 0 : i32
        %dma_wait3A_148 = arith.constant 0 : i32
        %dma_wait3A_149 = tpu.memref_slice %arg3[%dma_wait3A_146, %add3A, %scan3A_94, %dma_wait3A_147, %dma_wait3A_148] : memref<2x32x80x1x128xi32, #tpu.memory_space<hbm>> -> memref<1x1x1x1x128xi32, #tpu.memory_space<hbm>>
        %dma_wait3A_150 = tpu.memref_squeeze %dma_wait3A_149 : memref<1x1x1x1x128xi32, #tpu.memory_space<hbm>> -> memref<1x128xi32, #tpu.memory_space<hbm>>
        %dma_wait3A_151 = arith.constant 0 : i32
        %dma_wait3A_152 = arith.constant 0 : i32
        %dma_wait3A_153 = tpu.memref_slice %arg3[%dma_wait3A_146, %add3A, %scan3A_94, %dma_wait3A_151, %dma_wait3A_152] : memref<2x32x80x1x128xi32, #tpu.memory_space<hbm>> -> memref<1x1x1x1x128xi32, #tpu.memory_space<hbm>>
        %dma_wait3A_154 = tpu.memref_squeeze %dma_wait3A_153 : memref<1x1x1x1x128xi32, #tpu.memory_space<hbm>> -> memref<1x128xi32, #tpu.memory_space<hbm>>
        tpu.wait_dma2 semaphore(%arg15 : memref<!tpu.dma_semaphore, #tpu.memory_space<semaphore_mem>>) src(%dma_wait3A_154 : memref<1x128xi32, #tpu.memory_space<hbm>>) dst(%arg9 : memref<1x128xi32, #tpu.memory_space<vmem>>)
        %dma_start3A_155 = arith.constant 0 : i32
        %dma_start3A_156 = arith.constant 0 : i32
        %dma_start3A_157 = tpu.memref_slice %arg9[%dma_start3A_155, %dma_start3A_156] : memref<1x128xi32, #tpu.memory_space<vmem>> -> memref<1x128xi32, #tpu.memory_space<vmem>>
        %dma_start3A_158 = tpu.memref_squeeze %dma_start3A_157 : memref<1x128xi32, #tpu.memory_space<vmem>> -> memref<128xi32, #tpu.memory_space<vmem>>
        %dma_start3A_159 = arith.constant 0 : i32
        %dma_start3A_160 = arith.constant 0 : i32
        %dma_start3A_161 = tpu.memref_slice %arg6[%dma_start3A_159, %dma_start3A_160] : memref<10008x128xf32, #tpu.memory_space<vmem_shared>> -> memref<10008x128xf32, #tpu.memory_space<vmem_shared>>
        tpu.enqueue_indirect_dma source(%arg11 : memref<128x128xf32, #tpu.memory_space<vmem>>) target(%dma_start3A_161 : memref<10008x128xf32, #tpu.memory_space<vmem_shared>>) offsets(%dma_start3A_158 : memref<128xi32, #tpu.memory_space<vmem>>) semaphore(%arg19 : memref<!tpu.dma_semaphore, #tpu.memory_space<semaphore_mem>>) {add = true}
        %add3A_162 = arith.constant 2 : i32
        %add3A_163 = arith.addi %scan3A_94, %add3A_162 : i32
        %lt3A_164 = arith.constant 80 : i32
        %lt3A_165 = arith.cmpi slt, %add3A_163, %lt3A_164 : i32
        %convert_element_type3A_166 = arith.extui %lt3A_165 : i1 to i32
        %cond3A_167 = arith.constant 0 : i32
        %cond3A_168 = arith.cmpi ne, %convert_element_type3A_166, %cond3A_167 : i32
        scf.if %cond3A_168 {
          %add3A_169 = arith.constant 2 : i32
          %add3A_170 = arith.addi %scan3A_94, %add3A_169 : i32
          %dma_start3A_171 = arith.constant 0 : i32
          %dma_start3A_172 = arith.constant 0 : i32
          %dma_start3A_173 = arith.constant 0 : i32
          %dma_start3A_174 = tpu.memref_slice %arg3[%dma_start3A_171, %add3A, %add3A_170, %dma_start3A_172, %dma_start3A_173] : memref<2x32x80x1x128xi32, #tpu.memory_space<hbm>> -> memref<1x1x1x1x128xi32, #tpu.memory_space<hbm>>
          %dma_start3A_175 = tpu.memref_squeeze %dma_start3A_174 : memref<1x1x1x1x128xi32, #tpu.memory_space<hbm>> -> memref<1x128xi32, #tpu.memory_space<hbm>>
          %dma_start3A_176 = arith.constant 0 : i32
          %dma_start3A_177 = arith.constant 0 : i32
          %dma_start3A_178 = tpu.memref_slice %arg3[%dma_start3A_171, %add3A, %add3A_170, %dma_start3A_176, %dma_start3A_177] : memref<2x32x80x1x128xi32, #tpu.memory_space<hbm>> -> memref<1x1x1x1x128xi32, #tpu.memory_space<hbm>>
          %dma_start3A_179 = tpu.memref_squeeze %dma_start3A_178 : memref<1x1x1x1x128xi32, #tpu.memory_space<hbm>> -> memref<1x128xi32, #tpu.memory_space<hbm>>
          tpu.enqueue_dma source(%dma_start3A_179 : memref<1x128xi32, #tpu.memory_space<hbm>>) target(%arg7 : memref<1x128xi32, #tpu.memory_space<vmem>>) target_semaphore(%arg13 : memref<!tpu.dma_semaphore, #tpu.memory_space<semaphore_mem>>)
        } else {
        }
      } else {
      }
      %jit3A_111 = arith.constant 2 : i32
      %eq3A_112 = arith.constant 0 : i32
      %eq3A_113 = arith.cmpi eq, %jit3A_111, %eq3A_112 : i32
      %jit3A_114 = arith.constant 1 : i32
      %select_n3A_115 = arith.select %eq3A_113, %jit3A_114, %jit3A_111 : i32
      %rem3A_116 = arith.remsi %scan3A_94, %select_n3A_115 : i32
      %ne3A_117 = arith.constant 0 : i32
      %ne3A_118 = arith.cmpi ne, %rem3A_116, %ne3A_117 : i32
      %lt3A_119 = arith.constant 0 : i32
      %lt3A_120 = arith.cmpi slt, %rem3A_116, %lt3A_119 : i32
      %lt3A_121 = arith.constant 0 : i32
      %lt3A_122 = arith.cmpi slt, %select_n3A_115, %lt3A_121 : i32
      %ne3A_123 = arith.xori %lt3A_120, %lt3A_122 : i1
      %and3A_124 = arith.andi %ne3A_123, %ne3A_118 : i1
      %add3A_125 = arith.addi %rem3A_116, %select_n3A_115 : i32
      %select_n3A_126 = arith.select %and3A_124, %add3A_125, %rem3A_116 : i32
      %eq3A_127 = arith.constant 1 : i32
      %eq3A_128 = arith.cmpi eq, %select_n3A_126, %eq3A_127 : i32
      %convert_element_type3A_129 = arith.extui %eq3A_128 : i1 to i32
      %cond3A_130 = arith.constant 0 : i32
      %cond3A_131 = arith.cmpi ne, %convert_element_type3A_129, %cond3A_130 : i32
      scf.if %cond3A_131 {
        %add3A_132 = arith.constant 1 : i32
        %add3A_133 = arith.addi %scan3A_94, %add3A_132 : i32
        %lt3A_134 = arith.constant 80 : i32
        %lt3A_135 = arith.cmpi slt, %add3A_133, %lt3A_134 : i32
        %convert_element_type3A_136 = arith.extui %lt3A_135 : i1 to i32
        %cond3A_137 = arith.constant 0 : i32
        %cond3A_138 = arith.cmpi ne, %convert_element_type3A_136, %cond3A_137 : i32
        scf.if %cond3A_138 {
          %ge3A = arith.constant 1 : i32
          %ge3A_169 = arith.cmpi sge, %scan3A_94, %ge3A : i32
          %convert_element_type3A_170 = arith.extui %ge3A_169 : i1 to i32
          %cond3A_171 = arith.constant 0 : i32
          %cond3A_172 = arith.cmpi ne, %convert_element_type3A_170, %cond3A_171 : i32
          scf.if %cond3A_172 {
            %dma_wait3A_198 = arith.constant 0 : i32
            %dma_wait3A_199 = arith.constant 0 : i32
            %dma_wait3A_200 = tpu.memref_slice %arg9[%dma_wait3A_198, %dma_wait3A_199] : memref<1x128xi32, #tpu.memory_space<vmem>> -> memref<1x128xi32, #tpu.memory_space<vmem>>
            %dma_wait3A_201 = tpu.memref_squeeze %dma_wait3A_200 : memref<1x128xi32, #tpu.memory_space<vmem>> -> memref<128xi32, #tpu.memory_space<vmem>>
            %dma_wait3A_202 = arith.constant 0 : i32
            %dma_wait3A_203 = arith.constant 0 : i32
            %dma_wait3A_204 = tpu.memref_slice %arg6[%dma_wait3A_202, %dma_wait3A_203] : memref<10008x128xf32, #tpu.memory_space<vmem_shared>> -> memref<10008x128xf32, #tpu.memory_space<vmem_shared>>
            tpu.wait_indirect_dma semaphore(%arg19 : memref<!tpu.dma_semaphore, #tpu.memory_space<semaphore_mem>>) src(%arg11 : memref<128x128xf32, #tpu.memory_space<vmem>>) dst(%dma_wait3A_204 : memref<10008x128xf32, #tpu.memory_space<vmem_shared>>)
          } else {
          }
          %add3A_173 = arith.constant 1 : i32
          %add3A_174 = arith.addi %scan3A_94, %add3A_173 : i32
          %ge3A_175 = arith.constant 2 : i32
          %ge3A_176 = arith.cmpi sge, %add3A_174, %ge3A_175 : i32
          %convert_element_type3A_177 = arith.extui %ge3A_176 : i1 to i32
          %cond3A_178 = arith.constant 0 : i32
          %cond3A_179 = arith.cmpi ne, %convert_element_type3A_177, %cond3A_178 : i32
          scf.if %cond3A_179 {
            %add3A_198 = arith.constant 1 : i32
            %add3A_199 = arith.addi %scan3A_94, %add3A_198 : i32
            %dma_start3A_200 = arith.constant 1 : i32
            %dma_start3A_201 = arith.constant 0 : i32
            %dma_start3A_202 = arith.constant 0 : i32
            %dma_start3A_203 = tpu.memref_slice %arg3[%dma_start3A_200, %add3A, %add3A_199, %dma_start3A_201, %dma_start3A_202] : memref<2x32x80x1x128xi32, #tpu.memory_space<hbm>> -> memref<1x1x1x1x128xi32, #tpu.memory_space<hbm>>
            %dma_start3A_204 = tpu.memref_squeeze %dma_start3A_203 : memref<1x1x1x1x128xi32, #tpu.memory_space<hbm>> -> memref<1x128xi32, #tpu.memory_space<hbm>>
            %dma_start3A_205 = arith.constant 0 : i32
            %dma_start3A_206 = arith.constant 0 : i32
            %dma_start3A_207 = tpu.memref_slice %arg3[%dma_start3A_200, %add3A, %add3A_199, %dma_start3A_205, %dma_start3A_206] : memref<2x32x80x1x128xi32, #tpu.memory_space<hbm>> -> memref<1x1x1x1x128xi32, #tpu.memory_space<hbm>>
            %dma_start3A_208 = tpu.memref_squeeze %dma_start3A_207 : memref<1x1x1x1x128xi32, #tpu.memory_space<hbm>> -> memref<1x128xi32, #tpu.memory_space<hbm>>
            tpu.enqueue_dma source(%dma_start3A_208 : memref<1x128xi32, #tpu.memory_space<hbm>>) target(%arg9 : memref<1x128xi32, #tpu.memory_space<vmem>>) target_semaphore(%arg15 : memref<!tpu.dma_semaphore, #tpu.memory_space<semaphore_mem>>)
          } else {
          }
          %add3A_180 = arith.constant 1 : i32
          %add3A_181 = arith.addi %scan3A_94, %add3A_180 : i32
          %dma_wait3A_182 = arith.constant 0 : i32
          %dma_wait3A_183 = arith.constant 0 : i32
          %dma_wait3A_184 = arith.constant 0 : i32
          %dma_wait3A_185 = tpu.memref_slice %arg3[%dma_wait3A_182, %add3A, %add3A_181, %dma_wait3A_183, %dma_wait3A_184] : memref<2x32x80x1x128xi32, #tpu.memory_space<hbm>> -> memref<1x1x1x1x128xi32, #tpu.memory_space<hbm>>
          %dma_wait3A_186 = tpu.memref_squeeze %dma_wait3A_185 : memref<1x1x1x1x128xi32, #tpu.memory_space<hbm>> -> memref<1x128xi32, #tpu.memory_space<hbm>>
          %dma_wait3A_187 = arith.constant 0 : i32
          %dma_wait3A_188 = arith.constant 0 : i32
          %dma_wait3A_189 = tpu.memref_slice %arg3[%dma_wait3A_182, %add3A, %add3A_181, %dma_wait3A_187, %dma_wait3A_188] : memref<2x32x80x1x128xi32, #tpu.memory_space<hbm>> -> memref<1x1x1x1x128xi32, #tpu.memory_space<hbm>>
          %dma_wait3A_190 = tpu.memref_squeeze %dma_wait3A_189 : memref<1x1x1x1x128xi32, #tpu.memory_space<hbm>> -> memref<1x128xi32, #tpu.memory_space<hbm>>
          tpu.wait_dma2 semaphore(%arg13 : memref<!tpu.dma_semaphore, #tpu.memory_space<semaphore_mem>>) src(%dma_wait3A_190 : memref<1x128xi32, #tpu.memory_space<hbm>>) dst(%arg7 : memref<1x128xi32, #tpu.memory_space<vmem>>)
          %dma_start3A_191 = arith.constant 0 : i32
          %dma_start3A_192 = arith.constant 0 : i32
          %dma_start3A_193 = tpu.memref_slice %arg7[%dma_start3A_191, %dma_start3A_192] : memref<1x128xi32, #tpu.memory_space<vmem>> -> memref<1x128xi32, #tpu.memory_space<vmem>>
          %dma_start3A_194 = tpu.memref_squeeze %dma_start3A_193 : memref<1x128xi32, #tpu.memory_space<vmem>> -> memref<128xi32, #tpu.memory_space<vmem>>
          %dma_start3A_195 = arith.constant 0 : i32
          %dma_start3A_196 = arith.constant 0 : i32
          %dma_start3A_197 = tpu.memref_slice %arg2[%dma_start3A_195, %dma_start3A_196] : memref<10000x128xf32, #tpu.memory_space<hbm>> -> memref<10000x128xf32, #tpu.memory_space<hbm>>
          tpu.enqueue_indirect_dma source(%dma_start3A_197 : memref<10000x128xf32, #tpu.memory_space<hbm>>) target(%arg11 : memref<128x128xf32, #tpu.memory_space<vmem>>) offsets(%dma_start3A_194 : memref<128xi32, #tpu.memory_space<vmem>>) semaphore(%arg17 : memref<!tpu.dma_semaphore, #tpu.memory_space<semaphore_mem>>)
        } else {
        }
        %dma_wait3A_139 = arith.constant 0 : i32
        %dma_wait3A_140 = arith.constant 0 : i32
        %dma_wait3A_141 = tpu.memref_slice %arg8[%dma_wait3A_139, %dma_wait3A_140] : memref<1x128xi32, #tpu.memory_space<vmem>> -> memref<1x128xi32, #tpu.memory_space<vmem>>
        %dma_wait3A_142 = tpu.memref_squeeze %dma_wait3A_141 : memref<1x128xi32, #tpu.memory_space<vmem>> -> memref<128xi32, #tpu.memory_space<vmem>>
        %dma_wait3A_143 = arith.constant 0 : i32
        %dma_wait3A_144 = arith.constant 0 : i32
        %dma_wait3A_145 = tpu.memref_slice %arg2[%dma_wait3A_143, %dma_wait3A_144] : memref<10000x128xf32, #tpu.memory_space<hbm>> -> memref<10000x128xf32, #tpu.memory_space<hbm>>
        tpu.wait_indirect_dma semaphore(%arg18 : memref<!tpu.dma_semaphore, #tpu.memory_space<semaphore_mem>>) src(%dma_wait3A_145 : memref<10000x128xf32, #tpu.memory_space<hbm>>) dst(%arg12 : memref<128x128xf32, #tpu.memory_space<vmem>>)
        %dma_wait3A_146 = arith.constant 1 : i32
        %dma_wait3A_147 = arith.constant 0 : i32
        %dma_wait3A_148 = arith.constant 0 : i32
        %dma_wait3A_149 = tpu.memref_slice %arg3[%dma_wait3A_146, %add3A, %scan3A_94, %dma_wait3A_147, %dma_wait3A_148] : memref<2x32x80x1x128xi32, #tpu.memory_space<hbm>> -> memref<1x1x1x1x128xi32, #tpu.memory_space<hbm>>
        %dma_wait3A_150 = tpu.memref_squeeze %dma_wait3A_149 : memref<1x1x1x1x128xi32, #tpu.memory_space<hbm>> -> memref<1x128xi32, #tpu.memory_space<hbm>>
        %dma_wait3A_151 = arith.constant 0 : i32
        %dma_wait3A_152 = arith.constant 0 : i32
        %dma_wait3A_153 = tpu.memref_slice %arg3[%dma_wait3A_146, %add3A, %scan3A_94, %dma_wait3A_151, %dma_wait3A_152] : memref<2x32x80x1x128xi32, #tpu.memory_space<hbm>> -> memref<1x1x1x1x128xi32, #tpu.memory_space<hbm>>
        %dma_wait3A_154 = tpu.memref_squeeze %dma_wait3A_153 : memref<1x1x1x1x128xi32, #tpu.memory_space<hbm>> -> memref<1x128xi32, #tpu.memory_space<hbm>>
        tpu.wait_dma2 semaphore(%arg16 : memref<!tpu.dma_semaphore, #tpu.memory_space<semaphore_mem>>) src(%dma_wait3A_154 : memref<1x128xi32, #tpu.memory_space<hbm>>) dst(%arg10 : memref<1x128xi32, #tpu.memory_space<vmem>>)
        %dma_start3A_155 = arith.constant 0 : i32
        %dma_start3A_156 = arith.constant 0 : i32
        %dma_start3A_157 = tpu.memref_slice %arg10[%dma_start3A_155, %dma_start3A_156] : memref<1x128xi32, #tpu.memory_space<vmem>> -> memref<1x128xi32, #tpu.memory_space<vmem>>
        %dma_start3A_158 = tpu.memref_squeeze %dma_start3A_157 : memref<1x128xi32, #tpu.memory_space<vmem>> -> memref<128xi32, #tpu.memory_space<vmem>>
        %dma_start3A_159 = arith.constant 0 : i32
        %dma_start3A_160 = arith.constant 0 : i32
        %dma_start3A_161 = tpu.memref_slice %arg6[%dma_start3A_159, %dma_start3A_160] : memref<10008x128xf32, #tpu.memory_space<vmem_shared>> -> memref<10008x128xf32, #tpu.memory_space<vmem_shared>>
        tpu.enqueue_indirect_dma source(%arg12 : memref<128x128xf32, #tpu.memory_space<vmem>>) target(%dma_start3A_161 : memref<10008x128xf32, #tpu.memory_space<vmem_shared>>) offsets(%dma_start3A_158 : memref<128xi32, #tpu.memory_space<vmem>>) semaphore(%arg20 : memref<!tpu.dma_semaphore, #tpu.memory_space<semaphore_mem>>) {add = true}
        %add3A_162 = arith.constant 2 : i32
        %add3A_163 = arith.addi %scan3A_94, %add3A_162 : i32
        %lt3A_164 = arith.constant 80 : i32
        %lt3A_165 = arith.cmpi slt, %add3A_163, %lt3A_164 : i32
        %convert_element_type3A_166 = arith.extui %lt3A_165 : i1 to i32
        %cond3A_167 = arith.constant 0 : i32
        %cond3A_168 = arith.cmpi ne, %convert_element_type3A_166, %cond3A_167 : i32
        scf.if %cond3A_168 {
          %add3A_169 = arith.constant 2 : i32
          %add3A_170 = arith.addi %scan3A_94, %add3A_169 : i32
          %dma_start3A_171 = arith.constant 0 : i32
          %dma_start3A_172 = arith.constant 0 : i32
          %dma_start3A_173 = arith.constant 0 : i32
          %dma_start3A_174 = tpu.memref_slice %arg3[%dma_start3A_171, %add3A, %add3A_170, %dma_start3A_172, %dma_start3A_173] : memref<2x32x80x1x128xi32, #tpu.memory_space<hbm>> -> memref<1x1x1x1x128xi32, #tpu.memory_space<hbm>>
          %dma_start3A_175 = tpu.memref_squeeze %dma_start3A_174 : memref<1x1x1x1x128xi32, #tpu.memory_space<hbm>> -> memref<1x128xi32, #tpu.memory_space<hbm>>
          %dma_start3A_176 = arith.constant 0 : i32
          %dma_start3A_177 = arith.constant 0 : i32
          %dma_start3A_178 = tpu.memref_slice %arg3[%dma_start3A_171, %add3A, %add3A_170, %dma_start3A_176, %dma_start3A_177] : memref<2x32x80x1x128xi32, #tpu.memory_space<hbm>> -> memref<1x1x1x1x128xi32, #tpu.memory_space<hbm>>
          %dma_start3A_179 = tpu.memref_squeeze %dma_start3A_178 : memref<1x1x1x1x128xi32, #tpu.memory_space<hbm>> -> memref<1x128xi32, #tpu.memory_space<hbm>>
          tpu.enqueue_dma source(%dma_start3A_179 : memref<1x128xi32, #tpu.memory_space<hbm>>) target(%arg8 : memref<1x128xi32, #tpu.memory_space<vmem>>) target_semaphore(%arg14 : memref<!tpu.dma_semaphore, #tpu.memory_space<semaphore_mem>>)
        } else {
        }
      } else {
      }
    }
    %scan3A_68 = arith.constant 80 : i32
    %dma_wait3A_69 = arith.constant 0 : i32
    %dma_wait3A_70 = arith.constant 0 : i32
    %dma_wait3A_71 = tpu.memref_slice %arg9[%dma_wait3A_69, %dma_wait3A_70] : memref<1x128xi32, #tpu.memory_space<vmem>> -> memref<1x128xi32, #tpu.memory_space<vmem>>
    %dma_wait3A_72 = tpu.memref_squeeze %dma_wait3A_71 : memref<1x128xi32, #tpu.memory_space<vmem>> -> memref<128xi32, #tpu.memory_space<vmem>>
    %dma_wait3A_73 = arith.constant 0 : i32
    %dma_wait3A_74 = arith.constant 0 : i32
    %dma_wait3A_75 = tpu.memref_slice %arg6[%dma_wait3A_73, %dma_wait3A_74] : memref<10008x128xf32, #tpu.memory_space<vmem_shared>> -> memref<10008x128xf32, #tpu.memory_space<vmem_shared>>
    tpu.wait_indirect_dma semaphore(%arg19 : memref<!tpu.dma_semaphore, #tpu.memory_space<semaphore_mem>>) src(%arg11 : memref<128x128xf32, #tpu.memory_space<vmem>>) dst(%dma_wait3A_75 : memref<10008x128xf32, #tpu.memory_space<vmem_shared>>)
    %dma_wait3A_76 = arith.constant 0 : i32
    %dma_wait3A_77 = arith.constant 0 : i32
    %dma_wait3A_78 = tpu.memref_slice %arg10[%dma_wait3A_76, %dma_wait3A_77] : memref<1x128xi32, #tpu.memory_space<vmem>> -> memref<1x128xi32, #tpu.memory_space<vmem>>
    %dma_wait3A_79 = tpu.memref_squeeze %dma_wait3A_78 : memref<1x128xi32, #tpu.memory_space<vmem>> -> memref<128xi32, #tpu.memory_space<vmem>>
    %dma_wait3A_80 = arith.constant 0 : i32
    %dma_wait3A_81 = arith.constant 0 : i32
    %dma_wait3A_82 = tpu.memref_slice %arg6[%dma_wait3A_80, %dma_wait3A_81] : memref<10008x128xf32, #tpu.memory_space<vmem_shared>> -> memref<10008x128xf32, #tpu.memory_space<vmem_shared>>
    tpu.wait_indirect_dma semaphore(%arg20 : memref<!tpu.dma_semaphore, #tpu.memory_space<semaphore_mem>>) src(%arg12 : memref<128x128xf32, #tpu.memory_space<vmem>>) dst(%dma_wait3A_82 : memref<10008x128xf32, #tpu.memory_space<vmem_shared>>)
    %barrier3A_83 = arith.constant 0 : index
    tpu.barrier barrier_id(%barrier3A_83)
    %lt3A_84 = arith.constant 15 : i32
    %lt3A_85 = arith.cmpi slt, %arg1, %lt3A_84 : i32
    %convert_element_type3A_86 = arith.extui %lt3A_85 : i1 to i32
    %cond3A_87 = arith.constant 0 : i32
    %cond3A_88 = arith.cmpi ne, %convert_element_type3A_86, %cond3A_87 : i32
    scf.if %cond3A_88 {
      "tpu.region"() ({
        %run_scoped3A = tpu.sem_alloc : memref<!tpu.dma_semaphore, #tpu.memory_space<semaphore_mem>>
        %dma_start3A_94 = arith.constant 0 : i32
        %dma_start3A_95 = tpu.memref_slice %arg5[%arg0, %multiple_of3A, %dma_start3A_94] : memref<2x10000x128xf32, #tpu.memory_space<hbm>> -> memref<1x632x128xf32, #tpu.memory_space<hbm>>
        %dma_start3A_96 = tpu.memref_squeeze %dma_start3A_95 : memref<1x632x128xf32, #tpu.memory_space<hbm>> -> memref<632x128xf32, #tpu.memory_space<hbm>>
        %dma_start3A_97 = arith.constant 0 : i32
        %dma_start3A_98 = tpu.memref_slice %arg6[%multiple_of3A, %dma_start3A_97] : memref<10008x128xf32, #tpu.memory_space<vmem_shared>> -> memref<632x128xf32, #tpu.memory_space<vmem_shared>>
        tpu.enqueue_dma source(%dma_start3A_98 : memref<632x128xf32, #tpu.memory_space<vmem_shared>>) target(%dma_start3A_96 : memref<632x128xf32, #tpu.memory_space<hbm>>) target_semaphore(%run_scoped3A : memref<!tpu.dma_semaphore, #tpu.memory_space<semaphore_mem>>)
        %dma_wait3A_99 = arith.constant 0 : i32
        %dma_wait3A_100 = tpu.memref_slice %arg5[%arg0, %multiple_of3A, %dma_wait3A_99] : memref<2x10000x128xf32, #tpu.memory_space<hbm>> -> memref<1x632x128xf32, #tpu.memory_space<hbm>>
        %dma_wait3A_101 = tpu.memref_squeeze %dma_wait3A_100 : memref<1x632x128xf32, #tpu.memory_space<hbm>> -> memref<632x128xf32, #tpu.memory_space<hbm>>
        %dma_wait3A_102 = arith.constant 0 : i32
        %dma_wait3A_103 = tpu.memref_slice %arg6[%multiple_of3A, %dma_wait3A_102] : memref<10008x128xf32, #tpu.memory_space<vmem_shared>> -> memref<632x128xf32, #tpu.memory_space<vmem_shared>>
        tpu.wait_dma2 semaphore(%run_scoped3A : memref<!tpu.dma_semaphore, #tpu.memory_space<semaphore_mem>>) src(%dma_wait3A_103 : memref<632x128xf32, #tpu.memory_space<vmem_shared>>) dst(%dma_wait3A_101 : memref<632x128xf32, #tpu.memory_space<hbm>>)
        tpu.yield
      }) : () -> ()
    } else {
    }
    %eq3A_89 = arith.constant 15 : i32
    %eq3A_90 = arith.cmpi eq, %arg1, %eq3A_89 : i32
    %convert_element_type3A_91 = arith.extui %eq3A_90 : i1 to i32
    %cond3A_92 = arith.constant 0 : i32
    %cond3A_93 = arith.cmpi ne, %convert_element_type3A_91, %cond3A_92 : i32
    scf.if %cond3A_93 {
      "tpu.region"() ({
        %run_scoped3A = tpu.sem_alloc : memref<!tpu.dma_semaphore, #tpu.memory_space<semaphore_mem>>
        %dma_start3A_94 = arith.constant 0 : i32
        %dma_start3A_95 = tpu.memref_slice %arg5[%arg0, %multiple_of3A, %dma_start3A_94] : memref<2x10000x128xf32, #tpu.memory_space<hbm>> -> memref<1x520x128xf32, #tpu.memory_space<hbm>>
        %dma_start3A_96 = tpu.memref_squeeze %dma_start3A_95 : memref<1x520x128xf32, #tpu.memory_space<hbm>> -> memref<520x128xf32, #tpu.memory_space<hbm>>
        %dma_start3A_97 = arith.constant 0 : i32
        %dma_start3A_98 = tpu.memref_slice %arg6[%multiple_of3A, %dma_start3A_97] : memref<10008x128xf32, #tpu.memory_space<vmem_shared>> -> memref<520x128xf32, #tpu.memory_space<vmem_shared>>
        tpu.enqueue_dma source(%dma_start3A_98 : memref<520x128xf32, #tpu.memory_space<vmem_shared>>) target(%dma_start3A_96 : memref<520x128xf32, #tpu.memory_space<hbm>>) target_semaphore(%run_scoped3A : memref<!tpu.dma_semaphore, #tpu.memory_space<semaphore_mem>>)
        %dma_wait3A_99 = arith.constant 0 : i32
        %dma_wait3A_100 = tpu.memref_slice %arg5[%arg0, %multiple_of3A, %dma_wait3A_99] : memref<2x10000x128xf32, #tpu.memory_space<hbm>> -> memref<1x520x128xf32, #tpu.memory_space<hbm>>
        %dma_wait3A_101 = tpu.memref_squeeze %dma_wait3A_100 : memref<1x520x128xf32, #tpu.memory_space<hbm>> -> memref<520x128xf32, #tpu.memory_space<hbm>>
        %dma_wait3A_102 = arith.constant 0 : i32
        %dma_wait3A_103 = tpu.memref_slice %arg6[%multiple_of3A, %dma_wait3A_102] : memref<10008x128xf32, #tpu.memory_space<vmem_shared>> -> memref<520x128xf32, #tpu.memory_space<vmem_shared>>
        tpu.wait_dma2 semaphore(%run_scoped3A : memref<!tpu.dma_semaphore, #tpu.memory_space<semaphore_mem>>) src(%dma_wait3A_103 : memref<520x128xf32, #tpu.memory_space<vmem_shared>>) dst(%dma_wait3A_101 : memref<520x128xf32, #tpu.memory_space<hbm>>)
        tpu.yield
      }) : () -> ()
    } else {
    }
    return
  }
}

module attributes {stable_mosaic.version = 14 : i64} {
  func.func @_mm_body(%arg0: i32, %arg1: memref<1000x128xf32, #tpu.memory_space<vmem>>, %arg2: memref<128x128xf32, #tpu.memory_space<vmem>>, %arg3: memref<1000x128xf32, #tpu.memory_space<vmem>>) attributes {dimension_semantics = [#tpu.dimension_semantics<arbitrary>], iteration_bounds = array<i64: 10>, scalar_prefetch = 0 : i64, scratch_operands = 0 : i64, tpu.core_type = #tpu.core_type<tc>, window_params = [{transform_indices = @transform_0, window_bounds = array<i64: 1000, 128>}, {pipeline_mode = #tpu.pipeline_mode<synchronous>, transform_indices = @transform_1, window_bounds = array<i64: 128, 128>}, {transform_indices = @transform_2, window_bounds = array<i64: 1000, 128>}]} {
    %get3A = arith.constant 0 : index
    %get3A_0 = arith.constant 0 : index
    %get3A_1 = vector.load %arg1[%get3A, %get3A_0] : memref<1000x128xf32, #tpu.memory_space<vmem>>, vector<1000x128xf32>
    %get3A_2 = arith.constant 0 : index
    %get3A_3 = arith.constant 0 : index
    %get3A_4 = vector.load %arg2[%get3A_2, %get3A_3] : memref<128x128xf32, #tpu.memory_space<vmem>>, vector<128x128xf32>
    %dot_general3A = arith.constant dense<0.000000e+00> : vector<1000x128xf32>
    %dot_general3A_5 = tpu.matmul %get3A_1, %get3A_4, %dot_general3A {dimension_numbers = #tpu.dot_dimension_numbers<[1], [0], [0], [1], [0, 0, 1, 1], [], []>, transpose_lhs_hint = false} : vector<1000x128xf32>, vector<128x128xf32>, vector<1000x128xf32> -> vector<1000x128xf32>
    %swap3A = arith.constant 0 : index
    %swap3A_6 = arith.constant 0 : index
    %swap3A_7 = vector.load %arg3[%swap3A, %swap3A_6] : memref<1000x128xf32, #tpu.memory_space<vmem>>, vector<1000x128xf32>
    tpu.vector_store %arg3[%swap3A, %swap3A_6], %dot_general3A_5 {strides = array<i32>} : memref<1000x128xf32, #tpu.memory_space<vmem>>, vector<1000x128xf32>,
    return
  }
  func.func @transform_0(%arg0: i32) -> (i32, i32) {
    %c0_i32 = arith.constant 0 : i32
    %c0_i32_0 = arith.constant 0 : i32
    return %arg0, %c0_i32 : i32, i32
  }
  func.func @transform_1(%arg0: i32) -> (i32, i32) {
    %c0_i32 = arith.constant 0 : i32
    %c0_i32_0 = arith.constant 0 : i32
    %c0_i32_1 = arith.constant 0 : i32
    return %c0_i32, %c0_i32_0 : i32, i32
  }
  func.func @transform_2(%arg0: i32) -> (i32, i32) {
    %c0_i32 = arith.constant 0 : i32
    %c0_i32_0 = arith.constant 0 : i32
    return %arg0, %c0_i32 : i32, i32
  }
}

module attributes {stable_mosaic.version = 14 : i64} {
  func.func @_layer2_body(%arg0: i32, %arg1: memref<2x1000x128xf32, #tpu.memory_space<vmem>>, %arg2: memref<1x128xf32, #tpu.memory_space<vmem>>, %arg3: memref<128x128xf32, #tpu.memory_space<vmem>>, %arg4: memref<1000x128xf32, #tpu.memory_space<vmem>>) attributes {dimension_semantics = [#tpu.dimension_semantics<arbitrary>], iteration_bounds = array<i64: 10>, scalar_prefetch = 0 : i64, scratch_operands = 0 : i64, tpu.core_type = #tpu.core_type<tc>, window_params = [{transform_indices = @transform_0, window_bounds = array<i64: 2, 1000, 128>}, {pipeline_mode = #tpu.pipeline_mode<synchronous>, transform_indices = @transform_1, window_bounds = array<i64: 1, 128>}, {pipeline_mode = #tpu.pipeline_mode<synchronous>, transform_indices = @transform_2, window_bounds = array<i64: 128, 128>}, {transform_indices = @transform_3, window_bounds = array<i64: 1000, 128>}]} {
    %get3A = arith.constant 0 : index
    %get3A_0 = arith.constant 0 : index
    %get3A_1 = arith.constant 0 : index
    %get3A_2 = vector.load %arg1[%get3A, %get3A_0, %get3A_1] : memref<2x1000x128xf32, #tpu.memory_space<vmem>>, vector<1x1000x128xf32>
    %get3A_3 = vector.shape_cast %get3A_2 : vector<1x1000x128xf32> to vector<1000x128xf32>
    %get3A_4 = arith.constant 1 : index
    %get3A_5 = arith.constant 0 : index
    %get3A_6 = arith.constant 0 : index
    %get3A_7 = vector.load %arg1[%get3A_4, %get3A_5, %get3A_6] : memref<2x1000x128xf32, #tpu.memory_space<vmem>>, vector<1x1000x128xf32>
    %get3A_8 = vector.shape_cast %get3A_7 : vector<1x1000x128xf32> to vector<1000x128xf32>
    %add3A = arith.addf %get3A_3, %get3A_8 : vector<1000x128xf32>
    %get3A_9 = arith.constant 0 : index
    %get3A_10 = arith.constant 0 : index
    %get3A_11 = vector.load %arg2[%get3A_9, %get3A_10] : memref<1x128xf32, #tpu.memory_space<vmem>>, vector<1x128xf32>
    %add3A_12 = vector.broadcast %get3A_11 : vector<1x128xf32> to vector<1000x128xf32>
    %add3A_13 = arith.addf %add3A, %add3A_12 : vector<1000x128xf32>
    %max3A = arith.constant 0.000000e+00 : f32
    %max3A_14 = vector.broadcast %max3A : f32 to vector<1000x128xf32>
    %max3A_15 = arith.maximumf %add3A_13, %max3A_14 : vector<1000x128xf32>
    %get3A_16 = arith.constant 0 : index
    %get3A_17 = arith.constant 0 : index
    %get3A_18 = vector.load %arg3[%get3A_16, %get3A_17] : memref<128x128xf32, #tpu.memory_space<vmem>>, vector<128x128xf32>
    %dot_general3A = arith.constant dense<0.000000e+00> : vector<1000x128xf32>
    %dot_general3A_19 = tpu.matmul %max3A_15, %get3A_18, %dot_general3A {dimension_numbers = #tpu.dot_dimension_numbers<[1], [0], [0], [1], [0, 0, 1, 1], [], []>, transpose_lhs_hint = false} : vector<1000x128xf32>, vector<128x128xf32>, vector<1000x128xf32> -> vector<1000x128xf32>
    %swap3A = arith.constant 0 : index
    %swap3A_20 = arith.constant 0 : index
    %swap3A_21 = vector.load %arg4[%swap3A, %swap3A_20] : memref<1000x128xf32, #tpu.memory_space<vmem>>, vector<1000x128xf32>
    tpu.vector_store %arg4[%swap3A, %swap3A_20], %dot_general3A_19 {strides = array<i32>} : memref<1000x128xf32, #tpu.memory_space<vmem>>, vector<1000x128xf32>,
    return
  }
  func.func @transform_0(%arg0: i32) -> (i32, i32, i32) {
    %c0_i32 = arith.constant 0 : i32
    %c0_i32_0 = arith.constant 0 : i32
    %c0_i32_1 = arith.constant 0 : i32
    return %c0_i32, %arg0, %c0_i32_0 : i32, i32, i32
  }
  func.func @transform_1(%arg0: i32) -> (i32, i32) {
    %c0_i32 = arith.constant 0 : i32
    %c0_i32_0 = arith.constant 0 : i32
    %c0_i32_1 = arith.constant 0 : i32
    return %c0_i32, %c0_i32_0 : i32, i32
  }
  func.func @transform_2(%arg0: i32) -> (i32, i32) {
    %c0_i32 = arith.constant 0 : i32
    %c0_i32_0 = arith.constant 0 : i32
    %c0_i32_1 = arith.constant 0 : i32
    return %c0_i32, %c0_i32_0 : i32, i32
  }
  func.func @transform_3(%arg0: i32) -> (i32, i32) {
    %c0_i32 = arith.constant 0 : i32
    %c0_i32_0 = arith.constant 0 : i32
    return %arg0, %c0_i32 : i32, i32
  }
}

module attributes {stable_mosaic.version = 14 : i64} {
  func.func @_head_body(%arg0: i32, %arg1: memref<2x1000x128xf32, #tpu.memory_space<vmem>>, %arg2: memref<1x128xf32, #tpu.memory_space<vmem>>, %arg3: memref<1x1x1000xi32, #tpu.memory_space<vmem>>, %arg4: memref<64x128xf32, #tpu.memory_space<vmem>>, %arg5: memref<1x64xf32, #tpu.memory_space<vmem>>, %arg6: memref<1x64xf32, #tpu.memory_space<vmem>>, %arg7: memref<1x64xf32, #tpu.memory_space<vmem>>, %arg8: memref<10x64xf32, #tpu.memory_space<vmem>>, %arg9: memref<1x10xf32, #tpu.memory_space<vmem>>, %arg10: memref<1x10xf32, #tpu.memory_space<vmem>>, %arg11: memref<1x10xf32, #tpu.memory_space<vmem>>, %arg12: memref<64x10xf32, #tpu.memory_space<vmem>>, %arg13: memref<64x128xf32, #tpu.memory_space<vmem>>, %arg14: memref<64x128xf32, #tpu.memory_space<vmem>>) attributes {dimension_semantics = [#tpu.dimension_semantics<arbitrary>], iteration_bounds = array<i64: 10>, scalar_prefetch = 0 : i64, scratch_operands = 2 : i64, tpu.core_type = #tpu.core_type<tc>, window_params = [{transform_indices = @transform_0, window_bounds = array<i64: 2, 1000, 128>}, {pipeline_mode = #tpu.pipeline_mode<synchronous>, transform_indices = @transform_1, window_bounds = array<i64: 1, 128>}, {transform_indices = @transform_2, window_bounds = array<i64: 1, 1, 1000>}, {pipeline_mode = #tpu.pipeline_mode<synchronous>, transform_indices = @transform_3, window_bounds = array<i64: 64, 128>}, {pipeline_mode = #tpu.pipeline_mode<synchronous>, transform_indices = @transform_4, window_bounds = array<i64: 1, 64>}, {pipeline_mode = #tpu.pipeline_mode<synchronous>, transform_indices = @transform_5, window_bounds = array<i64: 1, 64>}, {pipeline_mode = #tpu.pipeline_mode<synchronous>, transform_indices = @transform_6, window_bounds = array<i64: 1, 64>}, {pipeline_mode = #tpu.pipeline_mode<synchronous>, transform_indices = @transform_7, window_bounds = array<i64: 10, 64>}, {pipeline_mode = #tpu.pipeline_mode<synchronous>, transform_indices = @transform_8, window_bounds = array<i64: 1, 10>}, {pipeline_mode = #tpu.pipeline_mode<synchronous>, transform_indices = @transform_9, window_bounds = array<i64: 1, 10>}, {pipeline_mode = #tpu.pipeline_mode<synchronous>, transform_indices = @transform_10, window_bounds = array<i64: 1, 10>}, {pipeline_mode = #tpu.pipeline_mode<synchronous>, transform_indices = @transform_11, window_bounds = array<i64: 64, 10>}]} {
    %eq3A = arith.constant 0 : i32
    %eq3A_0 = arith.cmpi eq, %arg0, %eq3A : i32
    %convert_element_type3A = arith.extui %eq3A_0 : i1 to i32
    %cond3A = arith.constant 0 : i32
    %cond3A_1 = arith.cmpi ne, %convert_element_type3A, %cond3A : i32
    scf.if %cond3A_1 {
      %broadcast_in_dim3A_49 = arith.constant 0.000000e+00 : f32
      %broadcast_in_dim3A_50 = vector.broadcast %broadcast_in_dim3A_49 : f32 to vector<64x128xf32>
      %swap3A_51 = arith.constant 0 : index
      %swap3A_52 = arith.constant 0 : index
      %swap3A_53 = vector.load %arg13[%swap3A_51, %swap3A_52] : memref<64x128xf32, #tpu.memory_space<vmem>>, vector<64x128xf32>
      tpu.vector_store %arg13[%swap3A_51, %swap3A_52], %broadcast_in_dim3A_50 {strides = array<i32>} : memref<64x128xf32, #tpu.memory_space<vmem>>, vector<64x128xf32>,
      %broadcast_in_dim3A_54 = arith.constant 0.000000e+00 : f32
      %broadcast_in_dim3A_55 = vector.broadcast %broadcast_in_dim3A_54 : f32 to vector<64x128xf32>
      %swap3A_56 = arith.constant 0 : index
      %swap3A_57 = arith.constant 0 : index
      %swap3A_58 = vector.load %arg14[%swap3A_56, %swap3A_57] : memref<64x128xf32, #tpu.memory_space<vmem>>, vector<64x128xf32>
      tpu.vector_store %arg14[%swap3A_56, %swap3A_57], %broadcast_in_dim3A_55 {strides = array<i32>} : memref<64x128xf32, #tpu.memory_space<vmem>>, vector<64x128xf32>,
    } else {
    }
    %get3A = arith.constant 0 : index
    %get3A_2 = arith.constant 0 : index
    %get3A_3 = arith.constant 0 : index
    %get3A_4 = vector.load %arg1[%get3A, %get3A_2, %get3A_3] : memref<2x1000x128xf32, #tpu.memory_space<vmem>>, vector<1x1000x128xf32>
    %get3A_5 = vector.shape_cast %get3A_4 : vector<1x1000x128xf32> to vector<1000x128xf32>
    %get3A_6 = arith.constant 1 : index
    %get3A_7 = arith.constant 0 : index
    %get3A_8 = arith.constant 0 : index
    %get3A_9 = vector.load %arg1[%get3A_6, %get3A_7, %get3A_8] : memref<2x1000x128xf32, #tpu.memory_space<vmem>>, vector<1x1000x128xf32>
    %get3A_10 = vector.shape_cast %get3A_9 : vector<1x1000x128xf32> to vector<1000x128xf32>
    %add3A = arith.addf %get3A_5, %get3A_10 : vector<1000x128xf32>
    %get3A_11 = arith.constant 0 : index
    %get3A_12 = arith.constant 0 : index
    %get3A_13 = vector.load %arg2[%get3A_11, %get3A_12] : memref<1x128xf32, #tpu.memory_space<vmem>>, vector<1x128xf32>
    %add3A_14 = vector.broadcast %get3A_13 : vector<1x128xf32> to vector<1000x128xf32>
    %add3A_15 = arith.addf %add3A, %add3A_14 : vector<1000x128xf32>
    %max3A = arith.constant 0.000000e+00 : f32
    %max3A_16 = vector.broadcast %max3A : f32 to vector<1000x128xf32>
    %max3A_17 = arith.maximumf %add3A_15, %max3A_16 : vector<1000x128xf32>
    %get3A_18 = arith.constant 0 : index
    %get3A_19 = arith.constant 0 : index
    %get3A_20 = arith.constant 0 : index
    %get3A_21 = vector.load %arg3[%get3A_18, %get3A_19, %get3A_20] : memref<1x1x1000xi32, #tpu.memory_space<vmem>>, vector<1x1x1000xi32>
    %get3A_22 = vector.shape_cast %get3A_21 : vector<1x1x1000xi32> to vector<1x1000xi32>
    %iota3A = tpu.iota {dimensions = array<i32: 0>} : vector<64x1000xi32>
    %eq3A_23 = vector.broadcast %get3A_22 : vector<1x1000xi32> to vector<64x1000xi32>
    %eq3A_24 = arith.cmpi eq, %iota3A, %eq3A_23 : vector<64x1000xi32>
    %convert_element_type3A_25 = arith.extui %eq3A_24 : vector<64x1000xi1> to vector<64x1000xi32>
    %convert_element_type3A_26 = arith.sitofp %convert_element_type3A_25 : vector<64x1000xi32> to vector<64x1000xf32>
    %get3A_27 = arith.constant 0 : index
    %get3A_28 = arith.constant 0 : index
    %get3A_29 = vector.load %arg13[%get3A_27, %get3A_28] : memref<64x128xf32, #tpu.memory_space<vmem>>, vector<64x128xf32>
    %dot_general3A = arith.constant dense<0.000000e+00> : vector<64x128xf32>
    %dot_general3A_30 = tpu.matmul %convert_element_type3A_26, %max3A_17, %dot_general3A {dimension_numbers = #tpu.dot_dimension_numbers<[1], [0], [0], [1], [0, 0, 1, 1], [], []>, precision = #tpu.contract_precision<fp32>, transpose_lhs_hint = false} : vector<64x1000xf32>, vector<1000x128xf32>, vector<64x128xf32> -> vector<64x128xf32>
    %add3A_31 = arith.addf %get3A_29, %dot_general3A_30 : vector<64x128xf32>
    %swap3A = arith.constant 0 : index
    %swap3A_32 = arith.constant 0 : index
    %swap3A_33 = vector.load %arg13[%swap3A, %swap3A_32] : memref<64x128xf32, #tpu.memory_space<vmem>>, vector<64x128xf32>
    tpu.vector_store %arg13[%swap3A, %swap3A_32], %add3A_31 {strides = array<i32>} : memref<64x128xf32, #tpu.memory_space<vmem>>, vector<64x128xf32>,
    %get3A_34 = arith.constant 0 : index
    %get3A_35 = arith.constant 0 : index
    %get3A_36 = vector.load %arg14[%get3A_34, %get3A_35] : memref<64x128xf32, #tpu.memory_space<vmem>>, vector<64x128xf32>
    %broadcast_in_dim3A = arith.constant 1.000000e+00 : f32
    %broadcast_in_dim3A_37 = vector.broadcast %broadcast_in_dim3A : f32 to vector<1000x128xf32>
    %dot_general3A_38 = arith.constant dense<0.000000e+00> : vector<64x128xf32>
    %dot_general3A_39 = tpu.matmul %convert_element_type3A_26, %broadcast_in_dim3A_37, %dot_general3A_38 {dimension_numbers = #tpu.dot_dimension_numbers<[1], [0], [0], [1], [0, 0, 1, 1], [], []>, precision = #tpu.contract_precision<fp32>, transpose_lhs_hint = false} : vector<64x1000xf32>, vector<1000x128xf32>, vector<64x128xf32> -> vector<64x128xf32>
    %add3A_40 = arith.addf %get3A_36, %dot_general3A_39 : vector<64x128xf32>
    %swap3A_41 = arith.constant 0 : index
    %swap3A_42 = arith.constant 0 : index
    %swap3A_43 = vector.load %arg14[%swap3A_41, %swap3A_42] : memref<64x128xf32, #tpu.memory_space<vmem>>, vector<64x128xf32>
    tpu.vector_store %arg14[%swap3A_41, %swap3A_42], %add3A_40 {strides = array<i32>} : memref<64x128xf32, #tpu.memory_space<vmem>>, vector<64x128xf32>,
    %eq3A_44 = arith.constant 9 : i32
    %eq3A_45 = arith.cmpi eq, %arg0, %eq3A_44 : i32
    %convert_element_type3A_46 = arith.extui %eq3A_45 : i1 to i32
    %cond3A_47 = arith.constant 0 : i32
    %cond3A_48 = arith.cmpi ne, %convert_element_type3A_46, %cond3A_47 : i32
    scf.if %cond3A_48 {
      %get3A_49 = arith.constant 0 : index
      %get3A_50 = arith.constant 0 : index
      %get3A_51 = vector.load %arg13[%get3A_49, %get3A_50] : memref<64x128xf32, #tpu.memory_space<vmem>>, vector<64x128xf32>
      %get3A_52 = arith.constant 0 : index
      %get3A_53 = arith.constant 0 : index
      %get3A_54 = vector.load %arg14[%get3A_52, %get3A_53] : memref<64x128xf32, #tpu.memory_space<vmem>>, vector<64x128xf32>
      %max3A_55 = arith.constant 1.000000e+00 : f32
      %max3A_56 = vector.broadcast %max3A_55 : f32 to vector<64x128xf32>
      %max3A_57 = arith.maximumf %get3A_54, %max3A_56 : vector<64x128xf32>
      %div3A = arith.divf %get3A_51, %max3A_57 : vector<64x128xf32>
      %get3A_58 = arith.constant 0 : index
      %get3A_59 = arith.constant 0 : index
      %get3A_60 = vector.load %arg4[%get3A_58, %get3A_59] : memref<64x128xf32, #tpu.memory_space<vmem>>, vector<64x128xf32>
      %dot_general3A_61 = arith.constant dense<0.000000e+00> : vector<64x64xf32>
      %dot_general3A_62 = tpu.matmul %div3A, %get3A_60, %dot_general3A_61 {dimension_numbers = #tpu.dot_dimension_numbers<[1], [1], [0], [0], [0, 0, 1, 0], [], []>, transpose_lhs_hint = false} : vector<64x128xf32>, vector<64x128xf32>, vector<64x64xf32> -> vector<64x64xf32>
      %get3A_63 = arith.constant 0 : index
      %get3A_64 = arith.constant 0 : index
      %get3A_65 = vector.load %arg5[%get3A_63, %get3A_64] : memref<1x64xf32, #tpu.memory_space<vmem>>, vector<1x64xf32>
      %add3A_66 = vector.broadcast %get3A_65 : vector<1x64xf32> to vector<64x64xf32>
      %add3A_67 = arith.addf %dot_general3A_62, %add3A_66 : vector<64x64xf32>
      %max3A_68 = arith.constant 0.000000e+00 : f32
      %max3A_69 = vector.broadcast %max3A_68 : f32 to vector<64x64xf32>
      %max3A_70 = arith.maximumf %add3A_67, %max3A_69 : vector<64x64xf32>
      %reduce_sum3A = arith.constant dense<0.000000e+00> : vector<64xf32>
      %reduce_sum3A_71 = vector.multi_reduction <add>, %max3A_70, %reduce_sum3A [0] : vector<64x64xf32> to vector<64xf32>
      %broadcast_in_dim3A_72 = vector.shape_cast %reduce_sum3A_71 : vector<64xf32> to vector<1x64xf32>
      %div3A_73 = arith.constant 6.400000e+01 : f32
      %div3A_74 = vector.broadcast %div3A_73 : f32 to vector<1x64xf32>
      %div3A_75 = arith.divf %broadcast_in_dim3A_72, %div3A_74 : vector<1x64xf32>
      %sub3A = vector.broadcast %div3A_75 : vector<1x64xf32> to vector<64x64xf32>
      %sub3A_76 = arith.subf %max3A_70, %sub3A : vector<64x64xf32>
      %integer_pow3A = arith.mulf %sub3A_76, %sub3A_76 : vector<64x64xf32>
      %reduce_sum3A_77 = arith.constant dense<0.000000e+00> : vector<64xf32>
      %reduce_sum3A_78 = vector.multi_reduction <add>, %integer_pow3A, %reduce_sum3A_77 [0] : vector<64x64xf32> to vector<64xf32>
      %broadcast_in_dim3A_79 = vector.shape_cast %reduce_sum3A_78 : vector<64xf32> to vector<1x64xf32>
      %div3A_80 = arith.constant 6.400000e+01 : f32
      %div3A_81 = vector.broadcast %div3A_80 : f32 to vector<1x64xf32>
      %div3A_82 = arith.divf %broadcast_in_dim3A_79, %div3A_81 : vector<1x64xf32>
      %sub3A_83 = vector.broadcast %div3A_75 : vector<1x64xf32> to vector<64x64xf32>
      %sub3A_84 = arith.subf %max3A_70, %sub3A_83 : vector<64x64xf32>
      %add3A_85 = arith.constant 9.99999974E-6 : f32
      %add3A_86 = vector.broadcast %add3A_85 : f32 to vector<1x64xf32>
      %add3A_87 = arith.addf %div3A_82, %add3A_86 : vector<1x64xf32>
      %rsqrt3A = math.rsqrt %add3A_87 : vector<1x64xf32>
      %mul3A = vector.broadcast %rsqrt3A : vector<1x64xf32> to vector<64x64xf32>
      %mul3A_88 = arith.mulf %sub3A_84, %mul3A : vector<64x64xf32>
      %get3A_89 = arith.constant 0 : index
      %get3A_90 = arith.constant 0 : index
      %get3A_91 = vector.load %arg6[%get3A_89, %get3A_90] : memref<1x64xf32, #tpu.memory_space<vmem>>, vector<1x64xf32>
      %mul3A_92 = vector.broadcast %get3A_91 : vector<1x64xf32> to vector<64x64xf32>
      %mul3A_93 = arith.mulf %mul3A_88, %mul3A_92 : vector<64x64xf32>
      %get3A_94 = arith.constant 0 : index
      %get3A_95 = arith.constant 0 : index
      %get3A_96 = vector.load %arg7[%get3A_94, %get3A_95] : memref<1x64xf32, #tpu.memory_space<vmem>>, vector<1x64xf32>
      %add3A_97 = vector.broadcast %get3A_96 : vector<1x64xf32> to vector<64x64xf32>
      %add3A_98 = arith.addf %mul3A_93, %add3A_97 : vector<64x64xf32>
      %get3A_99 = arith.constant 0 : index
      %get3A_100 = arith.constant 0 : index
      %get3A_101 = vector.load %arg8[%get3A_99, %get3A_100] : memref<10x64xf32, #tpu.memory_space<vmem>>, vector<10x64xf32>
      %dot_general3A_102 = arith.constant dense<0.000000e+00> : vector<64x10xf32>
      %dot_general3A_103 = tpu.matmul %add3A_98, %get3A_101, %dot_general3A_102 {dimension_numbers = #tpu.dot_dimension_numbers<[1], [1], [0], [0], [0, 0, 1, 0], [], []>, transpose_lhs_hint = false} : vector<64x64xf32>, vector<10x64xf32>, vector<64x10xf32> -> vector<64x10xf32>
      %get3A_104 = arith.constant 0 : index
      %get3A_105 = arith.constant 0 : index
      %get3A_106 = vector.load %arg9[%get3A_104, %get3A_105] : memref<1x10xf32, #tpu.memory_space<vmem>>, vector<1x10xf32>
      %add3A_107 = vector.broadcast %get3A_106 : vector<1x10xf32> to vector<64x10xf32>
      %add3A_108 = arith.addf %dot_general3A_103, %add3A_107 : vector<64x10xf32>
      %max3A_109 = arith.constant 0.000000e+00 : f32
      %max3A_110 = vector.broadcast %max3A_109 : f32 to vector<64x10xf32>
      %max3A_111 = arith.maximumf %add3A_108, %max3A_110 : vector<64x10xf32>
      %reduce_sum3A_112 = arith.constant dense<0.000000e+00> : vector<10xf32>
      %reduce_sum3A_113 = vector.multi_reduction <add>, %max3A_111, %reduce_sum3A_112 [0] : vector<64x10xf32> to vector<10xf32>
      %broadcast_in_dim3A_114 = vector.shape_cast %reduce_sum3A_113 : vector<10xf32> to vector<1x10xf32>
      %div3A_115 = arith.constant 6.400000e+01 : f32
      %div3A_116 = vector.broadcast %div3A_115 : f32 to vector<1x10xf32>
      %div3A_117 = arith.divf %broadcast_in_dim3A_114, %div3A_116 : vector<1x10xf32>
      %sub3A_118 = vector.broadcast %div3A_117 : vector<1x10xf32> to vector<64x10xf32>
      %sub3A_119 = arith.subf %max3A_111, %sub3A_118 : vector<64x10xf32>
      %integer_pow3A_120 = arith.mulf %sub3A_119, %sub3A_119 : vector<64x10xf32>
      %reduce_sum3A_121 = arith.constant dense<0.000000e+00> : vector<10xf32>
      %reduce_sum3A_122 = vector.multi_reduction <add>, %integer_pow3A_120, %reduce_sum3A_121 [0] : vector<64x10xf32> to vector<10xf32>
      %broadcast_in_dim3A_123 = vector.shape_cast %reduce_sum3A_122 : vector<10xf32> to vector<1x10xf32>
      %div3A_124 = arith.constant 6.400000e+01 : f32
      %div3A_125 = vector.broadcast %div3A_124 : f32 to vector<1x10xf32>
      %div3A_126 = arith.divf %broadcast_in_dim3A_123, %div3A_125 : vector<1x10xf32>
      %sub3A_127 = vector.broadcast %div3A_117 : vector<1x10xf32> to vector<64x10xf32>
      %sub3A_128 = arith.subf %max3A_111, %sub3A_127 : vector<64x10xf32>
      %add3A_129 = arith.constant 9.99999974E-6 : f32
      %add3A_130 = vector.broadcast %add3A_129 : f32 to vector<1x10xf32>
      %add3A_131 = arith.addf %div3A_126, %add3A_130 : vector<1x10xf32>
      %rsqrt3A_132 = math.rsqrt %add3A_131 : vector<1x10xf32>
      %mul3A_133 = vector.broadcast %rsqrt3A_132 : vector<1x10xf32> to vector<64x10xf32>
      %mul3A_134 = arith.mulf %sub3A_128, %mul3A_133 : vector<64x10xf32>
      %get3A_135 = arith.constant 0 : index
      %get3A_136 = arith.constant 0 : index
      %get3A_137 = vector.load %arg10[%get3A_135, %get3A_136] : memref<1x10xf32, #tpu.memory_space<vmem>>, vector<1x10xf32>
      %mul3A_138 = vector.broadcast %get3A_137 : vector<1x10xf32> to vector<64x10xf32>
      %mul3A_139 = arith.mulf %mul3A_134, %mul3A_138 : vector<64x10xf32>
      %get3A_140 = arith.constant 0 : index
      %get3A_141 = arith.constant 0 : index
      %get3A_142 = vector.load %arg11[%get3A_140, %get3A_141] : memref<1x10xf32, #tpu.memory_space<vmem>>, vector<1x10xf32>
      %add3A_143 = vector.broadcast %get3A_142 : vector<1x10xf32> to vector<64x10xf32>
      %add3A_144 = arith.addf %mul3A_139, %add3A_143 : vector<64x10xf32>
      %reduce_max3A = arith.constant dense<0xFF800000> : vector<64xf32>
      %reduce_max3A_145 = vector.multi_reduction <maximumf>, %add3A_144, %reduce_max3A [1] : vector<64x10xf32> to vector<64xf32>
      %broadcast_in_dim3A_146 = vector.shape_cast %reduce_max3A_145 : vector<64xf32> to vector<64x1xf32>
      %sub3A_147 = vector.broadcast %broadcast_in_dim3A_146 : vector<64x1xf32> to vector<64x10xf32>
      %sub3A_148 = arith.subf %add3A_144, %sub3A_147 : vector<64x10xf32>
      %exp3A = math.exp %sub3A_148 : vector<64x10xf32>
      %reduce_sum3A_149 = arith.constant dense<0.000000e+00> : vector<64xf32>
      %reduce_sum3A_150 = vector.multi_reduction <add>, %exp3A, %reduce_sum3A_149 [1] : vector<64x10xf32> to vector<64xf32>
      %broadcast_in_dim3A_151 = vector.shape_cast %reduce_sum3A_150 : vector<64xf32> to vector<64x1xf32>
      %log3A = math.log %broadcast_in_dim3A_151 : vector<64x1xf32>
      %sub3A_152 = vector.broadcast %log3A : vector<64x1xf32> to vector<64x10xf32>
      %sub3A_153 = arith.subf %sub3A_148, %sub3A_152 : vector<64x10xf32>
      %swap3A_154 = arith.constant 0 : index
      %swap3A_155 = arith.constant 0 : index
      %swap3A_156 = vector.load %arg12[%swap3A_154, %swap3A_155] : memref<64x10xf32, #tpu.memory_space<vmem>>, vector<64x10xf32>
      tpu.vector_store %arg12[%swap3A_154, %swap3A_155], %sub3A_153 {strides = array<i32>} : memref<64x10xf32, #tpu.memory_space<vmem>>, vector<64x10xf32>,
    } else {
    }
    return
  }
  func.func @transform_0(%arg0: i32) -> (i32, i32, i32) {
    %c0_i32 = arith.constant 0 : i32
    %c0_i32_0 = arith.constant 0 : i32
    %c0_i32_1 = arith.constant 0 : i32
    return %c0_i32, %arg0, %c0_i32_0 : i32, i32, i32
  }
  func.func @transform_1(%arg0: i32) -> (i32, i32) {
    %c0_i32 = arith.constant 0 : i32
    %c0_i32_0 = arith.constant 0 : i32
    %c0_i32_1 = arith.constant 0 : i32
    return %c0_i32, %c0_i32_0 : i32, i32
  }
  func.func @transform_2(%arg0: i32) -> (i32, i32, i32) {
    %c0_i32 = arith.constant 0 : i32
    %c0_i32_0 = arith.constant 0 : i32
    %c0_i32_1 = arith.constant 0 : i32
    return %arg0, %c0_i32, %c0_i32_0 : i32, i32, i32
  }
  func.func @transform_3(%arg0: i32) -> (i32, i32) {
    %c0_i32 = arith.constant 0 : i32
    %c0_i32_0 = arith.constant 0 : i32
    %c0_i32_1 = arith.constant 0 : i32
    return %c0_i32, %c0_i32_0 : i32, i32
  }
  func.func @transform_4(%arg0: i32) -> (i32, i32) {
    %c0_i32 = arith.constant 0 : i32
    %c0_i32_0 = arith.constant 0 : i32
    %c0_i32_1 = arith.constant 0 : i32
    return %c0_i32, %c0_i32_0 : i32, i32
  }
  func.func @transform_5(%arg0: i32) -> (i32, i32) {
    %c0_i32 = arith.constant 0 : i32
    %c0_i32_0 = arith.constant 0 : i32
    %c0_i32_1 = arith.constant 0 : i32
    return %c0_i32, %c0_i32_0 : i32, i32
  }
  func.func @transform_6(%arg0: i32) -> (i32, i32) {
    %c0_i32 = arith.constant 0 : i32
    %c0_i32_0 = arith.constant 0 : i32
    %c0_i32_1 = arith.constant 0 : i32
    return %c0_i32, %c0_i32_0 : i32, i32
  }
  func.func @transform_7(%arg0: i32) -> (i32, i32) {
    %c0_i32 = arith.constant 0 : i32
    %c0_i32_0 = arith.constant 0 : i32
    %c0_i32_1 = arith.constant 0 : i32
    return %c0_i32, %c0_i32_0 : i32, i32
  }
  func.func @transform_8(%arg0: i32) -> (i32, i32) {
    %c0_i32 = arith.constant 0 : i32
    %c0_i32_0 = arith.constant 0 : i32
    %c0_i32_1 = arith.constant 0 : i32
    return %c0_i32, %c0_i32_0 : i32, i32
  }
  func.func @transform_9(%arg0: i32) -> (i32, i32) {
    %c0_i32 = arith.constant 0 : i32
    %c0_i32_0 = arith.constant 0 : i32
    %c0_i32_1 = arith.constant 0 : i32
    return %c0_i32, %c0_i32_0 : i32, i32
  }
  func.func @transform_10(%arg0: i32) -> (i32, i32) {
    %c0_i32 = arith.constant 0 : i32
    %c0_i32_0 = arith.constant 0 : i32
    %c0_i32_1 = arith.constant 0 : i32
    return %c0_i32, %c0_i32_0 : i32, i32
  }
  func.func @transform_11(%arg0: i32) -> (i32, i32) {
    %c0_i32 = arith.constant 0 : i32
    %c0_i32_0 = arith.constant 0 : i32
    %c0_i32_1 = arith.constant 0 : i32
    return %c0_i32, %c0_i32_0 : i32, i32
  }
}

</mosaic_0001>

<sc_bundles>
// kernel: kernel.10.cloned.1.call-start
scs
__scs_entry_jumppad:
0x0: {  	(pc) =	sbr.rel $0x88, $3  }
0x1: {  	(tag) =	ssettag $0x0;
	lr =	simm.s32 $0x1  }
0x2: {  	[smem:$0x3F92] =	sst lr;
	_ =	strace $0xD0000000  }
0x3: {  	_ = 	snop  }
0x4: {  	_ = 	snop  }
0x5: {  	_ = 	snop  }
0x6: {  	_ = 	snop  }
0x7: {  	_ = 	snop  }
__scs_overlays_trampoline_lowered:
0x8: {  	[smem:$0x3FA1] =	sst s0  }
0x9: {  	[smem:$0x3FA2] =	sst s1  }
0xa: {  	[smem:$0x3FA3] =	sst s2  }
0xb: {  	[smem:$0x3FA4] =	sst s3  }
0xc: {  	[smem:$0x3FA5] =	sst s4  }
0xd: {  	[smem:$0x3FA6] =	sst s5  }
0xe: {  	[smem:$0x3FA7] =	sst s6  }
0xf: {  	[smem:$0x3FA8] =	sst s7  }
0x10: {  	[smem:$0x3FA9] =	sst s8  }
0x11: {  	[smem:$0x3FAA] =	sst s9;
	s0 =	simm.s32 @!p0 $0x0  }
0x12: {  	s1 =	sld [smem:$0x3F90];
	s0 =	simm.s32 @p0 $0x1  }
0x13: {  	[smem:$0x3FAB] =	sst s0;
	s0 =	simm.s32 @!p1 $0x0  }
0x14: {  	s2 =	sld [smem:$0x3F8F];
	s0 =	simm.s32 @p1 $0x1  }
0x15: {  	[smem:$0x3FAC] =	sst s0;
	s0 =	simm.s32 @!p2 $0x0  }
0x16: {  	s3 =	sld [smem:$0x3FDB];
	s0 =	simm.s32 @p2 $0x1  }
0x17: {  	s4 =	simm.s32 $0x1BF5;
	[smem:$0x3FAE] =	sst s0  }
0x18: {  	s0 =	sld [smem:$0x3F91];
	_ =	swait.ge [sflag:s4], $0x0  }
0x19: {  	s7 =	sld [smem:$0x3F92]  }
0x1a: {  	s8 =	sadd.s32 $0xFFFFE003, lr  }
0x1b: {  	s9 =	sadd.s32 $0xFFFFFEF7, lr;
	s5 =	simm.s32 $0xFFFFFFFF;
	p2 =	slt.u32 s8, $0xFFFFF086  }
0x1c: {  	p1 =	slt.u32 s9, $0xF7A;
	s5 =	simm.s32 @!p2 $0x0  }
0x1d: {  	s5 =	simm.s32 @p1 $0x1;
	p0 =	seq.s32 s7, s2  }
0x1e: {  	s7 =	smul.u32 @!p0 $0xF7A, s2;
	p2 =	seq.s32 @!p0 s5, $0x0  }
0x1f: {  	s9 =	smul.u32 $0xF7A, s1;
	s8 =	simm.s32 @!p0 $0x1BF5;
	p2 =	por !p2, p0  }
0x20: {  	[sflag:s8] =	ssyncset.s32 @!p0 $0xFFFFF086;
	s6 =	sadd.s32 @!p0 s3, s7;
	s7 =	simm.s32 @!p0 $0x108  }
0x21: {  	s3 =	sadd.s32 s3, s9;
	s6 =	sadd.s32 @!p0 $0x88, s6;
	s7 =	simm.s32 @p2 $0x1082  }
0x22: {  	[simem:s7], [sflag:s8] =	dma.local @!p0 [hbm:s6], $0xF7A  }
0x23: {  	s9 =	sor.u32 $0xD0000000, s2;
	s6 =	simm.s32 $0x108;
	_ =	swait.ge @!p0 [sflag:s8], $0x0  }
0x24: {  	s3 =	sadd.s32 $0x88, s3;
	s6 =	simm.s32 @!p1 $0x1082;
	[sflag:s4] =	ssyncset.s32 $0xFFFFF086  }
0x25: {  	[simem:s6], [sflag:s4] =	dma.local [hbm:s3], $0xF7A  }
0x26: {  	[smem:$0x3F92] =	sst s1;
	(tag) =	ssettag s2;
	_ =	strace s9  }
0x27: {  	s1 =	sld [smem:$0x3FA2]  }
0x28: {  	s2 =	sld [smem:$0x3FA3]  }
0x29: {  	s4 =	sld [smem:$0x3FA5]  }
0x2a: {  	p0 =	seq.s32 s5, $0x0;
	s5 =	sld [smem:$0x3FA6]  }
0x2b: {  	s6 =	sld [smem:$0x3FA7]  }
0x2c: {  	s7 =	sld [smem:$0x3FA8]  }
0x2d: {  	s3 =	simm.s32 $0x108;
	s8 =	sld [smem:$0x3FA9]  }
0x2e: {  	s3 =	simm.s32 @!p0 $0x1082;
	s9 =	sld [smem:$0x3FAA]  }
0x2f: {  	lr =	sadd.s32 s0, s3;
	s0 =	sld [smem:$0x3FA1]  }
0x30: {  	s3 =	sld [smem:$0x3FA4]  }
0x31: {  	[smem:$0x3FAD] =	sst s10  }
0x32: {  	s10 =	sld [smem:$0x3FAB];
	_ =	sdelay $0x3  }
0x33: {  	p0 =	seq.s32 s10, $0x1;
	s10 =	sld [smem:$0x3FAD];
	_ =	sdelay $0x3  }
0x34: {  	[smem:$0x3FAD] =	sst s10  }
0x35: {  	s10 =	sld [smem:$0x3FAC];
	_ =	sdelay $0x3  }
0x36: {  	p1 =	seq.s32 s10, $0x1;
	s10 =	sld [smem:$0x3FAD];
	_ =	sdelay $0x3  }
0x37: {  	[smem:$0x3FAD] =	sst s10  }
0x38: {  	s10 =	sld [smem:$0x3FAE]  }
0x39: {  	_ = 	snop;
	(pc) =	sbr.ind lr, $3  }
0x3a: {  	_ = 	snop  }
0x3b: {  	_ = 	snop  }
0x3c: {  	p2 =	seq.s32 s10, $0x1;
	s10 =	sld [smem:$0x3FAD]  }
0x3d: {  	_ =	shalt  }
0x3e: {  	_ =	shalt  }
0x3f: {  	_ =	shalt  }
0x40: {  	_ =	shalt  }
0x41: {  	_ =	shalt  }
0x42: {  	_ =	shalt  }
0x43: {  	_ =	shalt  }
0x44: {  	_ =	shalt  }
0x45: {  	_ =	shalt  }
0x46: {  	_ =	shalt  }
0x47: {  	_ =	shalt  }
0x48: {  	_ =	shalt  }
0x49: {  	_ =	shalt  }
0x4a: {  	_ =	shalt  }
0x4b: {  	_ =	shalt  }
0x4c: {  	_ =	shalt  }
0x4d: {  	_ =	shalt  }
0x4e: {  	_ =	shalt  }
0x4f: {  	_ =	shalt  }
0x50: {  	_ =	shalt  }
0x51: {  	_ =	shalt  }
0x52: {  	_ =	shalt  }
0x53: {  	_ =	shalt  }
0x54: {  	_ =	shalt  }
0x55: {  	_ =	shalt  }
0x56: {  	_ =	shalt  }
0x57: {  	_ =	shalt  }
0x58: {  	_ =	shalt  }
0x59: {  	_ =	shalt  }
0x5a: {  	_ =	shalt  }
0x5b: {  	_ =	shalt  }
0x5c: {  	_ =	shalt  }
0x5d: {  	_ =	shalt  }
0x5e: {  	_ =	shalt  }
0x5f: {  	_ =	shalt  }
0x60: {  	_ =	shalt  }
0x61: {  	_ =	shalt  }
0x62: {  	_ =	shalt  }
0x63: {  	_ =	shalt  }
0x64: {  	_ =	shalt  }
0x65: {  	_ =	shalt  }
0x66: {  	_ =	shalt  }
0x67: {  	_ =	shalt  }
0x68: {  	_ =	shalt  }
0x69: {  	_ =	shalt  }
0x6a: {  	_ =	shalt  }
0x6b: {  	_ =	shalt  }
0x6c: {  	_ =	shalt  }
0x6d: {  	_ =	shalt  }
0x6e: {  	_ =	shalt  }
0x6f: {  	_ =	shalt  }
0x70: {  	_ =	shalt  }
0x71: {  	_ =	shalt  }
0x72: {  	_ =	shalt  }
0x73: {  	_ =	shalt  }
0x74: {  	_ =	shalt  }
0x75: {  	_ =	shalt  }
0x76: {  	_ =	shalt  }
0x77: {  	_ =	shalt  }
0x78: {  	_ =	shalt  }
0x79: {  	_ =	shalt  }
0x7a: {  	_ =	shalt  }
0x7b: {  	_ =	shalt  }
0x7c: {  	_ =	shalt  }
0x7d: {  	_ =	shalt  }
0x7e: {  	_ =	shalt  }
0x7f: {  	_ =	shalt  }
0x80: {  	_ =	shalt  }
0x81: {  	_ =	shalt  }
0x82: {  	_ =	shalt  }
0x83: {  	_ =	shalt  }
0x84: {  	_ =	shalt  }
0x85: {  	_ =	shalt  }
0x86: {  	_ =	shalt  }
0x87: {  	_ =	shalt  }
.Lfunc_end0:
.L_simem_size_0:
called_computation.1_lowered:
.L_overlay_start_0:
0x88: {  	s2 =	sld [smem:$0x3FD9]  }
0x89: {  	s3 =	sld [smem:$0x3FFE];
	_ =	sdelay $0x1  }
0x8a: {  	s1 =	srdreg.scid  }
0x8b: {  	s0 =	sand.u32 $0x1, s1  }
0x8c: {  	s16 =	sshll.u32 s0, $0xA;
	s2 =	sadd.s32 s3, s2  }
0x8d: {  	s2 =	sadd.s32 s2, s16  }
0x8e: {  	[smem:$0x3FB9] =	sst s2  }
0x8f: {  	_ = 	snop  }
0x90: {  	(tm) =	ssettm $0x1  }
0x91: {  	s17 =	sld [smem:$0x3FFB];
	_ =	sdelay $0x3  }
0x92: {  	_ =	strace s17  }
0x93: {  	s2 =	sld [smem:$0x3FFC];
	_ =	sdelay $0x3  }
0x94: {  	_ =	strace s2  }
0x95: {  	s2 =	sld [smem:$0x3FFD];
	_ =	sdelay $0x3  }
0x96: {  	_ =	strace s2  }
0x97: {  	_ =	strace $0x8FFFFFFF  }
0x98: {  	s18 =	sld [smem:$0x3FDB];
	_ =	sdelay $0x1  }
0x99: {  	s19 =	simm.s32 $_scs_section_size  }
0x9a: {  	s4 =	simm.s32 $_size__tile_overlayer_lowered;
	s5 =	simm.s32 $_tile_overlayer_lowered  }
0x9b: {  	s22 =	simm.s32 $0x1BFF;
	s21 =	sshll.u32 s5, $0x1;
	s2 =	sadd.s32 s19, s18  }
0x9c: {  	s6 =	simm.s32 $0x0;
	s20 =	sshll.u32 s4, $0x1;
	s4 =	sadd.s32 s21, s2  }
0x9d: {  	[timem:s6], [sflag:s22] =	dma.local [hbm:s4], s20  }
0x9e: {  	_ =	swait.ge [sflag:s22], s20  }
0x9f: {  	s3 =	ssub.s32 $0x0, s20;
	[sflag:s22] =	ssyncset.done $0x0  }
0xa0: {  	[sflag:s22] =	ssyncadd.s32 s3;
	_ =	sdelay $0x1  }
0xa1: {  	s23 =	simm.s32 $0x1B8B  }
0xa2: {  	_ =	swait.ge [sflag:s23], $0x1  }
0xa3: {  	[sflag:s23] =	ssyncset.done $0x0  }
0xa4: {  	s25 =	simm.s32 $0x1B8E;
	s24 =	sld [smem:$0x3FFE];
	[sflag:s23] =	ssyncadd.s32 $0xFFFFFFFF  }
0xa5: {  	s26 =	simm.s32 $execute0_lowered;
	[smem:$0x3FD2] =	sst s25  }
0xa6: {  	s4 =	sshll.u32 s26, $0x1;
	_ =	strace $0x80000049;
	[dreg:$0x1] =	wrdreg $0xFFFFFFFF  }
0xa7: {  	s28 =	simm.s32 $_size_execute0_lowered;
	s2 =	sadd.s32 s2, s4;
	[dreg:$0x0] =	wrdreg $0x0  }
0xa8: {  	s4 =	sshll.u32 s28, $0x1;
	[dreg:$0x2] =	wrdreg s2  }
0xa9: {  	[dreg:$0x3] =	wrdreg s4  }
0xaa: {  	[dreg:$0x4] =	wrdreg $0xC0  }
0xab: {  	_ =	task [dreg:s6], $0x5FFFF  }
0xac: {  	[dreg:$0x1] =	wrdreg $0xFFFFFFFF  }
0xad: {  	[dreg:$0x0] =	wrdreg $0x60  }
0xae: {  	[dreg:$0x2] =	wrdreg s24  }
0xaf: {  	[dreg:$0x3] =	wrdreg $0x0  }
0xb0: {  	[dreg:$0x4] =	wrdreg $0x9  }
0xb1: {  	_ =	task.clear_ibuf [dreg:s6], $0x5FFFF;
	_ =	strace $0x90000049  }
0xb2: {  	s29 =	simm.s32 $0x9;
	_ =	strace $0x8000004B  }
0xb3: {  	_ =	swait.ge [sflag:s29], $0x1  }
0xb4: {  	[sflag:s29] =	ssyncadd.s32 $0xFFFFFFFF  }
0xb5: {  	_ =	strace $0x9000004B  }
0xb6: {  	_ =	sfence  }
0xb7: {  	s30 =	sld [smem:$0x0];
	_ =	sdelay $0x2  }
0xb8: {  	s31 =	sshll.u32 s1, $0xD;
	s1 =	sshrl.u32 s1, $0x2  }
0xb9: {  	s3 =	sand.u32 $0x4000, s31;
	s1 =	sadd.s32 s1, s30  }
0xba: {  	s0 =	sor.u32 s3, s0;
	s1 =	sshll.u32 s1, $0x11  }
0xbb: {  	s0 =	sor.u32 s1, s0  }
0xbc: {  	s0 =	sadd.s32 $0x8F2B, s0  }
0xbd: {  	[sflag:s0] =	ssyncadd.remote.s32 $0x1  }
0xbe: {  	_ =	sfence.sel $0xFFFF  }
0xbf: {  	[dreg:$0x0] =	wrdreg $0xFFFFFFFF;
	(pc) =	sbr.abs _section_cstart, $3  }
0xc0: {  	[dreg:$0x1] =	wrdreg $0xFFFFFFFF  }
0xc1: {  	_ =	task.clear_ibuf [dreg:s6], $0x2FFFF;
	_ =	strace $0x9FFFFFFF  }
0xc2: {  	(tm) =	ssettm $0x7FFFFFFF  }
0xc3: {  	_ =	shalt  }
tec
execute0_lowered:
.L_overlay_start_1:
0x0: {  	(tag) =	ssettag $0x1  }
0x1: {  	s0 =	rddreg [dreg:$0x0]  }
0x2: {  	s1 =	rddreg [dreg:$0x1];
	s2 =	srdreg.scid  }
0x3: {  	s3 =	simm.s32 $0x0;
	s12 =	stileid.u32;
	s28 =	simm.s32 $0x7  }
0x4: {  	s29 =	simm.s32 $0x8;
	s30 =	simm.s32 $0x2;
	s31 =	simm.s32 $0x5  }
0x5: {  	s2 =	sand.u32 $0x1, s2;
	[smem:$0x7FF] =	sst s3;
	s9 =	smul.u32 $0x4F000, s12  }
0x6: {  	s4 =	sadd.s32 $0x17200, s0;
	s7 =	sadd.s32 $0x3200, s0;
	s18 =	smul.u32 $0x13C00, s12  }
0x7: {  	s20 =	smul.u32 $0x2800, s12;
	s21 =	sadd.s32 $0x128400, s1;
	p0 =	seq.s32 s12, $0xF  }
0x8: {  	s5 =	sshll.u32 s2, $0x4;
	_ =	strace $0x8000004A;
	s11 =	smul.u32 $0x138800, s2  }
0x9: {  	s8 =	ssub.s32 $0x2, s2;
	s2 =	smul.u32 $0x28000, s2;
	[dreg:$0x8] =	wrdreg s21  }
0xa: {  	s21 =	simm.s32 $0x1;
	s6 =	sor.u32 s12, s5;
	s5 =	sadd.s32 $0x3E400, s0  }
0xb: {  	s0 =	sadd.s32 $0x40C00, s0;
	s10 =	sshrl.u32 s8, $0x1;
	s9 =	sshrl.u32 s9, $0x2  }
0xc: {  	s6 =	smul.u32 $0x2800, s6;
	s8 =	ssub.s32 s8, s10;
	s9 =	sadd.s32 s9, s1  }
0xd: {  	s22 =	sshrl.u32 s11, $0x3;
	s2 =	sadd.s32 s20, s2;
	s20 =	simm.s32 $0x13A40  }
0xe: {  	[dreg:$0x7] =	wrdreg s9;
	s23 =	sor.u32 $0x100, s2;
	s2 =	sadd.s32 $0x50080, s2  }
0xf: {  	s25 =	smax.u32 s8, $0x1;
	s6 =	sshrl.u32 s6, $0x3;
	s24 =	sshrl.u32 s23, $0x3  }
0x10: {  	[dreg:$0xb] =	wrdreg s25;
	s26 =	sshrl.u32 s2, $0x3;
	s23 =	simm.s32 $0x13AC0  }
0x11: {  	s25 =	simm.s32 $0x4;
	s2 =	simm.s32 $0x0;
	s17 =	sadd.s32 s7, s6  }
0x12: {  	s6 =	sadd.s32 s18, s11;
	s11 =	sadd.s32 s24, s7;
	s18 =	simm.s32 $0x13940  }
0x13: {  	s24 =	simm.s32 $0x6;
	s13 =	sadd.s32 $0x10, s17;
	[dreg:$0x3] =	wrdreg s17  }
0x14: {  	s19 =	sadd.s32 $0xA000, s17;
	s10 =	sadd.s32 $0xA010, s17;
	[dreg:$0x4] =	wrdreg s13  }
.Ltmp0:
0x15: {  	s6 =	sshrl.u32 s6, $0x3;
	[dreg:$0x5] =	wrdreg s19;
	(pc) =	sbr.rel .LBB2_1-.Ltmp0, $4  }
0x16: {  	s17 =	simm.s32 $0x138C0;
	[dreg:$0x6] =	wrdreg s10;
	s6 =	sadd.s32 s0, s6  }
0x17: {  	s0 =	sadd.s32 s0, s22;
	s10 =	sadd.s32 s26, s7;
	s19 =	simm.s32 $0x139C0  }
0x18: {  	s22 =	simm.s32 $0x80;
	[dreg:$0x9] =	wrdreg s6;
	s0 =	sadd.s32 $0x25080, s0  }
0x19: {  	s26 =	simm.s32 $0x17AC0;
	[dreg:$0xa] =	wrdreg s0;
	s0 =	simm.s32 $0x3  }
.LBB2_10:
0x1a: {  	_ =	swait.ge [sflag:s28], $0x4000  }
0x1b: {  	[sflag:s28] =	ssyncset.done $0x0  }
0x1c: {  	[sflag:s28] =	ssyncadd.s32 $0xFFFFC000  }
0x1d: {  	_ =	swait.ge [sflag:s29], $0x4000  }
0x1e: {  	[sflag:s29] =	ssyncset.done $0x0  }
0x1f: {  	[sflag:s29] =	ssyncadd.s32 $0xFFFFC000  }
0x20: {  	[bflag:$0x0] =	sbarrier.arrive $0xFFFF  }
0x21: {  	s6 =	simm.s32 @p0 $0x1FC9;
	s12 =	rddreg [dreg:$0xa]  }
0x22: {  	[hbm:s12], [sflag:s6] =	dma.local @p0 [spmem:s7], $0x2080  }
0x23: {  	s6 =	simm.s32 @p0 $0x9  }
0x24: {  	_ =	swait.ge @p0 [sflag:s6], $0x2080  }
0x25: {  	[sflag:s6] =	ssyncset.done @p0 $0x0  }
0x26: {  	[sflag:s6] =	ssyncadd.s32 @p0 $0xFFFFDF80;
	s6 =	rddreg [dreg:$0x9]  }
0x27: {  	[hbm:s6], [sflag:s8] =	dma.local @!p0 [spmem:s9], $0x2780  }
0x28: {  	s6 =	simm.s32 @!p0 $0x9  }
0x29: {  	_ =	swait.ge @!p0 [sflag:s6], $0x2780  }
0x2a: {  	s2 =	sadd.s32 $0x1, s2;
	s16 =	rddreg [dreg:$0xb]  }
0x2b: {  	p1 =	sne.s32 s2, s16  }
.Ltmp1:
0x2c: {  	_ = 	snop;
	(pc) =	sbr.rel @!p1 .LBB2_11-.Ltmp1, $3  }
0x2d: {  	_ =	sdelay $0x1  }
0x2e: {  	[sflag:s6] =	ssyncset.done @!p0 $0x0  }
0x2f: {  	[sflag:s6] =	ssyncadd.s32 @!p0 $0xFFFFD880  }
.LBB2_1:
0x30: {  	s6 =	rddreg [dreg:$0x3]  }
0x31: {  	[tilespmem:s17], [sflag:$0x1] =	stream.linear.gather [hbm4b:s6+s3], $0x80, $0x38;
	[tilespmem:$0x1BAC0] =	vst v63  }
0x32: {  	s14 =	rddreg [dreg:$0x4]  }
0x33: {  	[tilespmem:s18], [sflag:$0x2] =	stream.linear.gather [hbm4b:s14+s3], $0x80, $0x38;
	[tilespmem:$0x1BAC0] =	vst v63  }
0x34: {  	s15 =	rddreg [dreg:$0x5]  }
0x35: {  	[tilespmem:s19], [sflag:$0x3] =	stream.linear.gather [hbm4b:s15+s3], $0x80, $0x38;
	[tilespmem:$0x1BAC0] =	vst v63  }
0x36: {  	s16 =	rddreg [dreg:$0x6]  }
0x37: {  	[tilespmem:s20], [sflag:$0x4] =	stream.linear.gather [hbm4b:s16+s3], $0x80, $0x38;
	[tilespmem:$0x1BAC0] =	vst v63  }
0x38: {  	_ =	swait.ge [sflag:s21], $0x80  }
0x39: {  	[sflag:s21] =	ssyncset.done $0x0;
	s6 =	rddreg [dreg:$0x8]  }
0x3a: {  	[sflag:s21] =	ssyncadd.s32 $0xFFFFFF80;
	s7 =	sshrl.u32 @p0 s6, $0x3;
	s6 =	simm.s32 @p0 $0x1FC9  }
0x3b: {  	[tilespmem:s23], [sflag:$0x5] =	stream.indirect.gather [hbm4b:s4+s22], $0x80, s17, s22, $0xb8;
	[tilespmem:$0x1BAC0] =	vst v63  }
0x3c: {  	[spmem:s7], [sflag:s6] =	dma.local @p0 [hbm:s5], $0x2080  }
0x3d: {  	s6 =	simm.s32 @p0 $0x9  }
0x3e: {  	_ =	swait.ge @p0 [sflag:s6], $0x2080  }
0x3f: {  	s8 =	stileid.u32;
	[sflag:s6] =	ssyncset.done @p0 $0x0  }
0x40: {  	s8 =	sshll.u32 @!p0 s8, $0x6;
	[sflag:s6] =	ssyncadd.s32 @p0 $0xFFFFDF80;
	s6 =	rddreg [dreg:$0x7]  }
0x41: {  	s8 =	sor.u32 @!p0 $0x1C09, s8;
	s9 =	sshrl.u32 @!p0 s6, $0x3;
	s6 =	simm.s32 @!p0 $0x9  }
0x42: {  	[spmem:s9], [sflag:s8] =	dma.local @!p0 [hbm:s5], $0x2780  }
.Ltmp2:
0x43: {  	_ =	swait.ge @!p0 [sflag:s6], $0x2780;
	(pc) =	sbr.rel .LBB2_2-.Ltmp2, $4  }
0x44: {  	[sflag:s6] =	ssyncset.done @!p0 $0x0  }
0x45: {  	[sflag:s6] =	ssyncadd.s32 @!p0 $0xFFFFD880  }
0x46: {  	[bflag:$0x0] =	sbarrier.arrive $0xFFFF  }
0x47: {  	s12 =	simm.s32 $0x0;
	s15 =	smov.u32 s11;
	s16 =	smov.u32 s10  }
.LBB2_8:
0x48: {  	p1 =	seq.s32 s12, $0x4F  }
0x49: {  	s6 =	simm.s32 @!p1 $0x7  }
0x4a: {  	_ =	swait.ge @!p1 [sflag:s6], $0x4000  }
0x4b: {  	[sflag:s6] =	ssyncset.done @!p1 $0x0  }
0x4c: {  	s13 =	simm.s32 @!p1 $0x139C0;
	[sflag:s6] =	ssyncadd.s32 @!p1 $0xFFFFC000;
	s6 =	simm.s32 @!p1 $0x0  }
0x4d: {  	[tilespmem:s13], [sflag:$0x3] =	stream.linear.gather @!p1 [hbm4b:s16+s6], $0x80, $0x38;
	[tilespmem:$0x1BAC0] =	vst v63  }
0x4e: {  	s6 =	simm.s32 @!p1 $0x1  }
0x4f: {  	_ =	swait.ge @!p1 [sflag:s6], $0x80  }
0x50: {  	s14 =	simm.s32 @!p1 $0x13AC0;
	[sflag:s6] =	ssyncset.done @!p1 $0x0  }
0x51: {  	s13 =	simm.s32 @!p1 $0x138C0;
	[sflag:s6] =	ssyncadd.s32 @!p1 $0xFFFFFF80;
	s6 =	simm.s32 @!p1 $0x80  }
0x52: {  	[tilespmem:s14], [sflag:$0x5] =	stream.indirect.gather @!p1 [hbm4b:s4+s6], $0x80, s13, s6, $0xb8;
	[tilespmem:$0x1BAC0] =	vst v63  }
0x53: {  	_ =	swait.ge [sflag:s24], $0x4000  }
0x54: {  	[sflag:s24] =	ssyncset.done $0x0  }
0x55: {  	[sflag:s24] =	ssyncadd.s32 $0xFFFFC000  }
0x56: {  	_ =	swait.ge [sflag:s25], $0x80  }
0x57: {  	[sflag:s25] =	ssyncset.done $0x0  }
0x58: {  	p1 =	sgt.u32 s12, $0x4D;
	[sflag:s25] =	ssyncadd.s32 $0xFFFFFF80  }
0x59: {  	[spmem:s1] =	stream.indirect.scatter.add.f32 [tilespmem:s26], [sflag:$0x8], $0x80, s20, s22, $0xb8;
	[tilespmem:$0x1BAC0] =	vst v63  }
0x5a: {  	s6 =	simm.s32 @!p1 $0x0;
	s13 =	simm.s32 @!p1 $0x13940  }
0x5b: {  	[tilespmem:s13], [sflag:$0x2] =	stream.linear.gather @!p1 [hbm4b:s15+s6], $0x80, $0x38;
	[tilespmem:$0x1BAC0] =	vst v63  }
.LBB2_9:
0x5c: {  	s12 =	sadd.s32 $0x1, s12  }
0x5d: {  	p1 =	sne.s32 s12, $0x50  }
.Ltmp3:
0x5e: {  	_ = 	snop;
	(pc) =	sbr.rel @!p1 .LBB2_10-.Ltmp3, $2  }
0x5f: {  	_ =	sdelay $0x2  }
0x60: {  	s15 =	sadd.s32 $0x10, s15;
	s16 =	sadd.s32 $0x10, s16  }
.LBB2_2:
0x61: {  	s6 =	sand.u32 $0x1, s12  }
0x62: {  	p1 =	seq.s32 s6, $0x1  }
.Ltmp4:
0x63: {  	_ = 	snop;
	(pc) =	sbr.rel @p1 .LBB2_8-.Ltmp4, $1  }
0x64: {  	_ =	sdelay $0x3  }
0x65: {  	p1 =	seq.s32 s12, $0x0  }
.Ltmp5:
0x66: {  	_ = 	snop;
	(pc) =	sbr.rel @p1 .LBB2_6-.Ltmp5, $1  }
0x67: {  	_ =	sdelay $0x3  }
0x68: {  	p1 =	seq.s32 s12, $0x4F  }
.Ltmp6:
0x69: {  	_ = 	snop;
	(pc) =	sbr.rel @p1 .LBB2_7-.Ltmp6, $1  }
0x6a: {  	_ =	sdelay $0x3  }
0x6b: {  	_ =	swait.ge [sflag:s29], $0x4000  }
0x6c: {  	[sflag:s29] =	ssyncset.done $0x0  }
0x6d: {  	[sflag:s29] =	ssyncadd.s32 $0xFFFFC000  }
0x6e: {  	[tilespmem:s20], [sflag:$0x4] =	stream.linear.gather [hbm4b:s16+s3], $0x80, $0x38;
	[tilespmem:$0x1BAC0] =	vst v63  }
.LBB2_6:
0x6f: {  	_ =	swait.ge [sflag:s30], $0x80  }
0x70: {  	[sflag:s30] =	ssyncset.done $0x0  }
0x71: {  	[sflag:s30] =	ssyncadd.s32 $0xFFFFFF80  }
0x72: {  	[tilespmem:s26], [sflag:$0x6] =	stream.indirect.gather [hbm4b:s4+s22], $0x80, s18, s22, $0xb8;
	[tilespmem:$0x1BAC0] =	vst v63  }
.LBB2_7:
0x73: {  	_ =	swait.ge [sflag:s31], $0x4000  }
0x74: {  	[sflag:s31] =	ssyncset.done $0x0  }
0x75: {  	[sflag:s31] =	ssyncadd.s32 $0xFFFFC000  }
0x76: {  	_ =	swait.ge [sflag:s0], $0x80  }
0x77: {  	[sflag:s0] =	ssyncset.done $0x0  }
0x78: {  	p1 =	sgt.u32 s12, $0x4D;
	[sflag:s0] =	ssyncadd.s32 $0xFFFFFF80  }
0x79: {  	[spmem:s1] =	stream.indirect.scatter.add.f32 [tilespmem:s23], [sflag:$0x7], $0x80, s19, s22, $0xb8;
	[tilespmem:$0x1BAC0] =	vst v63  }
0x7a: {  	s13 =	simm.s32 @!p1 $0x0;
	s14 =	simm.s32 @!p1 $0x138C0  }
0x7b: {  	[tilespmem:s14], [sflag:$0x1] =	stream.linear.gather @!p1 [hbm4b:s15+s13], $0x80, $0x38;
	[tilespmem:$0x1BAC0] =	vst v63  }
0x7c: {  	p1 =	seq.s32 s6, $0x0  }
.Ltmp7:
0x7d: {  	_ = 	snop;
	(pc) =	sbr.rel @p1 .LBB2_9-.Ltmp7, $4  }
.Ltmp8:
0x7e: {  	_ = 	snop;
	(pc) =	sbr.rel @!p1 .LBB2_8-.Ltmp8, $4  }
0x7f: {  	_ = 	snop  }
0x80: {  	_ = 	snop  }
0x81: {  	_ = 	snop  }
0x82: {  	_ = 	snop  }
.LBB2_11:
0x83: {  	_ =	sfence.sel $0x180000  }
0x84: {  	[bflag:$0x0] =	sbarrier.arrive $0xFFFF  }
0x85: {  	_ =	strace $0x9000004A  }
0x86: {  	s0 =	stileid.u32;
	[bflag:$0x2] =	sbarrier.arrive $0xFFFF  }
0x87: {  	p0 =	sne.s32 s0, $0x0;
	s0 =	rddreg [dreg:$0x2]  }
0x88: {  	s0 =	sadd.s32 @!p0 $0x100000, s0  }
0x89: {  	[sflag:s0] =	ssyncadd.tile.s32 @!p0 $0x1;
	_ =	shalt  }
.Lfunc_end2:
_tile_overlayer_lowered:
.L_overlay_start_2:
0x8a: {  	(tag) =	ssettag $0x2  }
0x8b: {  	s0 =	rddreg [dreg:$0x0];
	s2 =	stileid.u32  }
0x8c: {  	s1 =	rddreg [dreg:$0x1];
	p0 =	sne.s32 s2, $0x0  }
0x8d: {  	s3 =	rddreg [dreg:$0x2];
	[bflag:$0x3] =	sbarrier.arrive $0xFFFF;
	s2 =	simm.s32 @!p0 $0x1C09  }
0x8e: {  	[timem:s3], [sflag:s2] =	dma.local @!p0 [hbm:s0], s1  }
0x8f: {  	s0 =	simm.s32 @!p0 $0x9  }
0x90: {  	_ =	swait.ge @!p0 [sflag:s0], s1  }
0x91: {  	s1 =	ssub.s32 @!p0 $0x0, s1;
	[sflag:s0] =	ssyncset.done @!p0 $0x0  }
0x92: {  	[sflag:s0] =	ssyncadd.s32 @!p0 s1  }
0x93: {  	[bflag:$0x3] =	sbarrier.arrive $0xFFFF  }
0x94: {  	_ =	shalt  }

// kernel: kernel.7.cloned.1.call-start
scs
__scs_entry_jumppad:
0x0: {  	(pc) =	sbr.rel $0x88, $3  }
0x1: {  	(tag) =	ssettag $0x0;
	lr =	simm.s32 $0x1  }
0x2: {  	[smem:$0x3F92] =	sst lr;
	_ =	strace $0xD0000000  }
0x3: {  	_ = 	snop  }
0x4: {  	_ = 	snop  }
0x5: {  	_ = 	snop  }
0x6: {  	_ = 	snop  }
0x7: {  	_ = 	snop  }
__scs_overlays_trampoline_lowered:
0x8: {  	[smem:$0x3FA1] =	sst s0  }
0x9: {  	[smem:$0x3FA2] =	sst s1  }
0xa: {  	[smem:$0x3FA3] =	sst s2  }
0xb: {  	[smem:$0x3FA4] =	sst s3  }
0xc: {  	[smem:$0x3FA5] =	sst s4  }
0xd: {  	[smem:$0x3FA6] =	sst s5  }
0xe: {  	[smem:$0x3FA7] =	sst s6  }
0xf: {  	[smem:$0x3FA8] =	sst s7  }
0x10: {  	[smem:$0x3FA9] =	sst s8  }
0x11: {  	[smem:$0x3FAA] =	sst s9;
	s0 =	simm.s32 @!p0 $0x0  }
0x12: {  	s1 =	sld [smem:$0x3F90];
	s0 =	simm.s32 @p0 $0x1  }
0x13: {  	[smem:$0x3FAB] =	sst s0;
	s0 =	simm.s32 @!p1 $0x0  }
0x14: {  	s2 =	sld [smem:$0x3F8F];
	s0 =	simm.s32 @p1 $0x1  }
0x15: {  	[smem:$0x3FAC] =	sst s0;
	s0 =	simm.s32 @!p2 $0x0  }
0x16: {  	s3 =	sld [smem:$0x3FDB];
	s0 =	simm.s32 @p2 $0x1  }
0x17: {  	s4 =	simm.s32 $0x1BF5;
	[smem:$0x3FAE] =	sst s0  }
0x18: {  	s0 =	sld [smem:$0x3F91];
	_ =	swait.ge [sflag:s4], $0x0  }
0x19: {  	s7 =	sld [smem:$0x3F92]  }
0x1a: {  	s8 =	sadd.s32 $0xFFFFE003, lr  }
0x1b: {  	s9 =	sadd.s32 $0xFFFFFEF7, lr;
	s5 =	simm.s32 $0xFFFFFFFF;
	p2 =	slt.u32 s8, $0xFFFFF086  }
0x1c: {  	p1 =	slt.u32 s9, $0xF7A;
	s5 =	simm.s32 @!p2 $0x0  }
0x1d: {  	s5 =	simm.s32 @p1 $0x1;
	p0 =	seq.s32 s7, s2  }
0x1e: {  	s7 =	smul.u32 @!p0 $0xF7A, s2;
	p2 =	seq.s32 @!p0 s5, $0x0  }
0x1f: {  	s9 =	smul.u32 $0xF7A, s1;
	s8 =	simm.s32 @!p0 $0x1BF5;
	p2 =	por !p2, p0  }
0x20: {  	[sflag:s8] =	ssyncset.s32 @!p0 $0xFFFFF086;
	s6 =	sadd.s32 @!p0 s3, s7;
	s7 =	simm.s32 @!p0 $0x108  }
0x21: {  	s3 =	sadd.s32 s3, s9;
	s6 =	sadd.s32 @!p0 $0x88, s6;
	s7 =	simm.s32 @p2 $0x1082  }
0x22: {  	[simem:s7], [sflag:s8] =	dma.local @!p0 [hbm:s6], $0xF7A  }
0x23: {  	s9 =	sor.u32 $0xD0000000, s2;
	s6 =	simm.s32 $0x108;
	_ =	swait.ge @!p0 [sflag:s8], $0x0  }
0x24: {  	s3 =	sadd.s32 $0x88, s3;
	s6 =	simm.s32 @!p1 $0x1082;
	[sflag:s4] =	ssyncset.s32 $0xFFFFF086  }
0x25: {  	[simem:s6], [sflag:s4] =	dma.local [hbm:s3], $0xF7A  }
0x26: {  	[smem:$0x3F92] =	sst s1;
	(tag) =	ssettag s2;
	_ =	strace s9  }
0x27: {  	s1 =	sld [smem:$0x3FA2]  }
0x28: {  	s2 =	sld [smem:$0x3FA3]  }
0x29: {  	s4 =	sld [smem:$0x3FA5]  }
0x2a: {  	p0 =	seq.s32 s5, $0x0;
	s5 =	sld [smem:$0x3FA6]  }
0x2b: {  	s6 =	sld [smem:$0x3FA7]  }
0x2c: {  	s7 =	sld [smem:$0x3FA8]  }
0x2d: {  	s3 =	simm.s32 $0x108;
	s8 =	sld [smem:$0x3FA9]  }
0x2e: {  	s3 =	simm.s32 @!p0 $0x1082;
	s9 =	sld [smem:$0x3FAA]  }
0x2f: {  	lr =	sadd.s32 s0, s3;
	s0 =	sld [smem:$0x3FA1]  }
0x30: {  	s3 =	sld [smem:$0x3FA4]  }
0x31: {  	[smem:$0x3FAD] =	sst s10  }
0x32: {  	s10 =	sld [smem:$0x3FAB];
	_ =	sdelay $0x3  }
0x33: {  	p0 =	seq.s32 s10, $0x1;
	s10 =	sld [smem:$0x3FAD];
	_ =	sdelay $0x3  }
0x34: {  	[smem:$0x3FAD] =	sst s10  }
0x35: {  	s10 =	sld [smem:$0x3FAC];
	_ =	sdelay $0x3  }
0x36: {  	p1 =	seq.s32 s10, $0x1;
	s10 =	sld [smem:$0x3FAD];
	_ =	sdelay $0x3  }
0x37: {  	[smem:$0x3FAD] =	sst s10  }
0x38: {  	s10 =	sld [smem:$0x3FAE]  }
0x39: {  	_ = 	snop;
	(pc) =	sbr.ind lr, $3  }
0x3a: {  	_ = 	snop  }
0x3b: {  	_ = 	snop  }
0x3c: {  	p2 =	seq.s32 s10, $0x1;
	s10 =	sld [smem:$0x3FAD]  }
0x3d: {  	_ =	shalt  }
0x3e: {  	_ =	shalt  }
0x3f: {  	_ =	shalt  }
0x40: {  	_ =	shalt  }
0x41: {  	_ =	shalt  }
0x42: {  	_ =	shalt  }
0x43: {  	_ =	shalt  }
0x44: {  	_ =	shalt  }
0x45: {  	_ =	shalt  }
0x46: {  	_ =	shalt  }
0x47: {  	_ =	shalt  }
0x48: {  	_ =	shalt  }
0x49: {  	_ =	shalt  }
0x4a: {  	_ =	shalt  }
0x4b: {  	_ =	shalt  }
0x4c: {  	_ =	shalt  }
0x4d: {  	_ =	shalt  }
0x4e: {  	_ =	shalt  }
0x4f: {  	_ =	shalt  }
0x50: {  	_ =	shalt  }
0x51: {  	_ =	shalt  }
0x52: {  	_ =	shalt  }
0x53: {  	_ =	shalt  }
0x54: {  	_ =	shalt  }
0x55: {  	_ =	shalt  }
0x56: {  	_ =	shalt  }
0x57: {  	_ =	shalt  }
0x58: {  	_ =	shalt  }
0x59: {  	_ =	shalt  }
0x5a: {  	_ =	shalt  }
0x5b: {  	_ =	shalt  }
0x5c: {  	_ =	shalt  }
0x5d: {  	_ =	shalt  }
0x5e: {  	_ =	shalt  }
0x5f: {  	_ =	shalt  }
0x60: {  	_ =	shalt  }
0x61: {  	_ =	shalt  }
0x62: {  	_ =	shalt  }
0x63: {  	_ =	shalt  }
0x64: {  	_ =	shalt  }
0x65: {  	_ =	shalt  }
0x66: {  	_ =	shalt  }
0x67: {  	_ =	shalt  }
0x68: {  	_ =	shalt  }
0x69: {  	_ =	shalt  }
0x6a: {  	_ =	shalt  }
0x6b: {  	_ =	shalt  }
0x6c: {  	_ =	shalt  }
0x6d: {  	_ =	shalt  }
0x6e: {  	_ =	shalt  }
0x6f: {  	_ =	shalt  }
0x70: {  	_ =	shalt  }
0x71: {  	_ =	shalt  }
0x72: {  	_ =	shalt  }
0x73: {  	_ =	shalt  }
0x74: {  	_ =	shalt  }
0x75: {  	_ =	shalt  }
0x76: {  	_ =	shalt  }
0x77: {  	_ =	shalt  }
0x78: {  	_ =	shalt  }
0x79: {  	_ =	shalt  }
0x7a: {  	_ =	shalt  }
0x7b: {  	_ =	shalt  }
0x7c: {  	_ =	shalt  }
0x7d: {  	_ =	shalt  }
0x7e: {  	_ =	shalt  }
0x7f: {  	_ =	shalt  }
0x80: {  	_ =	shalt  }
0x81: {  	_ =	shalt  }
0x82: {  	_ =	shalt  }
0x83: {  	_ =	shalt  }
0x84: {  	_ =	shalt  }
0x85: {  	_ =	shalt  }
0x86: {  	_ =	shalt  }
0x87: {  	_ =	shalt  }
.Lfunc_end0:
.L_simem_size_0:
called_computation_lowered:
.L_overlay_start_0:
0x88: {  	s2 =	sld [smem:$0x3FD9]  }
0x89: {  	s3 =	sld [smem:$0x3FFE];
	_ =	sdelay $0x1  }
0x8a: {  	s1 =	srdreg.scid  }
0x8b: {  	s0 =	sand.u32 $0x1, s1  }
0x8c: {  	s16 =	sshll.u32 s0, $0xA;
	s2 =	sadd.s32 s3, s2  }
0x8d: {  	s2 =	sadd.s32 s2, s16  }
0x8e: {  	[smem:$0x3FB9] =	sst s2  }
0x8f: {  	_ = 	snop  }
0x90: {  	(tm) =	ssettm $0x1  }
0x91: {  	s17 =	sld [smem:$0x3FFB];
	_ =	sdelay $0x3  }
0x92: {  	_ =	strace s17  }
0x93: {  	s2 =	sld [smem:$0x3FFC];
	_ =	sdelay $0x3  }
0x94: {  	_ =	strace s2  }
0x95: {  	s2 =	sld [smem:$0x3FFD];
	_ =	sdelay $0x3  }
0x96: {  	_ =	strace s2  }
0x97: {  	_ =	strace $0x8FFFFFFF  }
0x98: {  	s18 =	sld [smem:$0x3FDB];
	_ =	sdelay $0x1  }
0x99: {  	s19 =	simm.s32 $_scs_section_size  }
0x9a: {  	s4 =	simm.s32 $_size__tile_overlayer_lowered;
	s5 =	simm.s32 $_tile_overlayer_lowered  }
0x9b: {  	s22 =	simm.s32 $0x1BFF;
	s21 =	sshll.u32 s5, $0x1;
	s2 =	sadd.s32 s19, s18  }
0x9c: {  	s6 =	simm.s32 $0x0;
	s20 =	sshll.u32 s4, $0x1;
	s4 =	sadd.s32 s21, s2  }
0x9d: {  	[timem:s6], [sflag:s22] =	dma.local [hbm:s4], s20  }
0x9e: {  	_ =	swait.ge [sflag:s22], s20  }
0x9f: {  	s3 =	ssub.s32 $0x0, s20;
	[sflag:s22] =	ssyncset.done $0x0  }
0xa0: {  	[sflag:s22] =	ssyncadd.s32 s3;
	_ =	sdelay $0x1  }
0xa1: {  	s23 =	simm.s32 $0x1B8B  }
0xa2: {  	_ =	swait.ge [sflag:s23], $0x1  }
0xa3: {  	[sflag:s23] =	ssyncset.done $0x0  }
0xa4: {  	s25 =	simm.s32 $0x1B8E;
	s24 =	sld [smem:$0x3FFE];
	[sflag:s23] =	ssyncadd.s32 $0xFFFFFFFF  }
0xa5: {  	s26 =	simm.s32 $execute0_lowered;
	[smem:$0x3FD2] =	sst s25  }
0xa6: {  	s4 =	sshll.u32 s26, $0x1;
	_ =	strace $0x80000046;
	[dreg:$0x1] =	wrdreg $0xFFFFFFFF  }
0xa7: {  	s28 =	simm.s32 $_size_execute0_lowered;
	s2 =	sadd.s32 s2, s4;
	[dreg:$0x0] =	wrdreg $0x0  }
0xa8: {  	s4 =	sshll.u32 s28, $0x1;
	[dreg:$0x2] =	wrdreg s2  }
0xa9: {  	[dreg:$0x3] =	wrdreg s4  }
0xaa: {  	[dreg:$0x4] =	wrdreg $0xC0  }
0xab: {  	_ =	task [dreg:s6], $0x5FFFF  }
0xac: {  	[dreg:$0x1] =	wrdreg $0xFFFFFFFF  }
0xad: {  	[dreg:$0x0] =	wrdreg $0x60  }
0xae: {  	[dreg:$0x2] =	wrdreg s24  }
0xaf: {  	[dreg:$0x3] =	wrdreg $0x0  }
0xb0: {  	[dreg:$0x4] =	wrdreg $0x9  }
0xb1: {  	_ =	task.clear_ibuf [dreg:s6], $0x5FFFF;
	_ =	strace $0x90000046  }
0xb2: {  	s29 =	simm.s32 $0x9;
	_ =	strace $0x80000048  }
0xb3: {  	_ =	swait.ge [sflag:s29], $0x1  }
0xb4: {  	[sflag:s29] =	ssyncadd.s32 $0xFFFFFFFF  }
0xb5: {  	_ =	strace $0x90000048  }
0xb6: {  	_ =	sfence  }
0xb7: {  	s30 =	sld [smem:$0x0];
	_ =	sdelay $0x2  }
0xb8: {  	s31 =	sshll.u32 s1, $0xD;
	s1 =	sshrl.u32 s1, $0x2  }
0xb9: {  	s3 =	sand.u32 $0x4000, s31;
	s1 =	sadd.s32 s1, s30  }
0xba: {  	s0 =	sor.u32 s3, s0;
	s1 =	sshll.u32 s1, $0x11  }
0xbb: {  	s0 =	sor.u32 s1, s0  }
0xbc: {  	s0 =	sadd.s32 $0x8F2B, s0  }
0xbd: {  	[sflag:s0] =	ssyncadd.remote.s32 $0x1  }
0xbe: {  	_ =	sfence.sel $0xFFFF  }
0xbf: {  	[dreg:$0x0] =	wrdreg $0xFFFFFFFF;
	(pc) =	sbr.abs _section_cstart, $3  }
0xc0: {  	[dreg:$0x1] =	wrdreg $0xFFFFFFFF  }
0xc1: {  	_ =	task.clear_ibuf [dreg:s6], $0x2FFFF;
	_ =	strace $0x9FFFFFFF  }
0xc2: {  	(tm) =	ssettm $0x7FFFFFFF  }
0xc3: {  	_ =	shalt  }
tec
execute0_lowered:
.L_overlay_start_1:
0x0: {  	(tag) =	ssettag $0x1  }
0x1: {  	s0 =	rddreg [dreg:$0x0]  }
0x2: {  	s1 =	rddreg [dreg:$0x1];
	s2 =	srdreg.scid  }
0x3: {  	s3 =	simm.s32 $0x0;
	s12 =	stileid.u32;
	s28 =	simm.s32 $0x7  }
0x4: {  	s29 =	simm.s32 $0x8;
	s30 =	simm.s32 $0x2;
	s31 =	simm.s32 $0x5  }
0x5: {  	s2 =	sand.u32 $0x1, s2;
	[smem:$0x7FF] =	sst s3;
	s9 =	smul.u32 $0x4F000, s12  }
0x6: {  	s4 =	sadd.s32 $0x17200, s0;
	s7 =	sadd.s32 $0x3200, s0;
	s18 =	smul.u32 $0x13C00, s12  }
0x7: {  	s20 =	smul.u32 $0x2800, s12;
	s21 =	sadd.s32 $0x128400, s1;
	p0 =	seq.s32 s12, $0xF  }
0x8: {  	s5 =	sshll.u32 s2, $0x4;
	_ =	strace $0x80000047;
	s11 =	smul.u32 $0x138800, s2  }
0x9: {  	s8 =	ssub.s32 $0x2, s2;
	s2 =	smul.u32 $0x28000, s2;
	[dreg:$0x8] =	wrdreg s21  }
0xa: {  	s21 =	simm.s32 $0x1;
	s6 =	sor.u32 s12, s5;
	s5 =	sadd.s32 $0x3E400, s0  }
0xb: {  	s0 =	sadd.s32 $0x40C00, s0;
	s10 =	sshrl.u32 s8, $0x1;
	s9 =	sshrl.u32 s9, $0x2  }
0xc: {  	s6 =	smul.u32 $0x2800, s6;
	s8 =	ssub.s32 s8, s10;
	s9 =	sadd.s32 s9, s1  }
0xd: {  	s22 =	sshrl.u32 s11, $0x3;
	s2 =	sadd.s32 s20, s2;
	s20 =	simm.s32 $0x13A40  }
0xe: {  	[dreg:$0x7] =	wrdreg s9;
	s23 =	sor.u32 $0x100, s2;
	s2 =	sadd.s32 $0x50080, s2  }
0xf: {  	s25 =	smax.u32 s8, $0x1;
	s6 =	sshrl.u32 s6, $0x3;
	s24 =	sshrl.u32 s23, $0x3  }
0x10: {  	[dreg:$0xb] =	wrdreg s25;
	s26 =	sshrl.u32 s2, $0x3;
	s23 =	simm.s32 $0x13AC0  }
0x11: {  	s25 =	simm.s32 $0x4;
	s2 =	simm.s32 $0x0;
	s17 =	sadd.s32 s7, s6  }
0x12: {  	s6 =	sadd.s32 s18, s11;
	s11 =	sadd.s32 s24, s7;
	s18 =	simm.s32 $0x13940  }
0x13: {  	s24 =	simm.s32 $0x6;
	s13 =	sadd.s32 $0x10, s17;
	[dreg:$0x3] =	wrdreg s17  }
0x14: {  	s19 =	sadd.s32 $0xA000, s17;
	s10 =	sadd.s32 $0xA010, s17;
	[dreg:$0x4] =	wrdreg s13  }
.Ltmp0:
0x15: {  	s6 =	sshrl.u32 s6, $0x3;
	[dreg:$0x5] =	wrdreg s19;
	(pc) =	sbr.rel .LBB2_1-.Ltmp0, $4  }
0x16: {  	s17 =	simm.s32 $0x138C0;
	[dreg:$0x6] =	wrdreg s10;
	s6 =	sadd.s32 s0, s6  }
0x17: {  	s0 =	sadd.s32 s0, s22;
	s10 =	sadd.s32 s26, s7;
	s19 =	simm.s32 $0x139C0  }
0x18: {  	s22 =	simm.s32 $0x80;
	[dreg:$0x9] =	wrdreg s6;
	s0 =	sadd.s32 $0x25080, s0  }
0x19: {  	s26 =	simm.s32 $0x17AC0;
	[dreg:$0xa] =	wrdreg s0;
	s0 =	simm.s32 $0x3  }
.LBB2_10:
0x1a: {  	_ =	swait.ge [sflag:s28], $0x4000  }
0x1b: {  	[sflag:s28] =	ssyncset.done $0x0  }
0x1c: {  	[sflag:s28] =	ssyncadd.s32 $0xFFFFC000  }
0x1d: {  	_ =	swait.ge [sflag:s29], $0x4000  }
0x1e: {  	[sflag:s29] =	ssyncset.done $0x0  }
0x1f: {  	[sflag:s29] =	ssyncadd.s32 $0xFFFFC000  }
0x20: {  	[bflag:$0x0] =	sbarrier.arrive $0xFFFF  }
0x21: {  	s6 =	simm.s32 @p0 $0x1FC9;
	s12 =	rddreg [dreg:$0xa]  }
0x22: {  	[hbm:s12], [sflag:s6] =	dma.local @p0 [spmem:s7], $0x2080  }
0x23: {  	s6 =	simm.s32 @p0 $0x9  }
0x24: {  	_ =	swait.ge @p0 [sflag:s6], $0x2080  }
0x25: {  	[sflag:s6] =	ssyncset.done @p0 $0x0  }
0x26: {  	[sflag:s6] =	ssyncadd.s32 @p0 $0xFFFFDF80;
	s6 =	rddreg [dreg:$0x9]  }
0x27: {  	[hbm:s6], [sflag:s8] =	dma.local @!p0 [spmem:s9], $0x2780  }
0x28: {  	s6 =	simm.s32 @!p0 $0x9  }
0x29: {  	_ =	swait.ge @!p0 [sflag:s6], $0x2780  }
0x2a: {  	s2 =	sadd.s32 $0x1, s2;
	s16 =	rddreg [dreg:$0xb]  }
0x2b: {  	p1 =	sne.s32 s2, s16  }
.Ltmp1:
0x2c: {  	_ = 	snop;
	(pc) =	sbr.rel @!p1 .LBB2_11-.Ltmp1, $3  }
0x2d: {  	_ =	sdelay $0x1  }
0x2e: {  	[sflag:s6] =	ssyncset.done @!p0 $0x0  }
0x2f: {  	[sflag:s6] =	ssyncadd.s32 @!p0 $0xFFFFD880  }
.LBB2_1:
0x30: {  	s6 =	rddreg [dreg:$0x3]  }
0x31: {  	[tilespmem:s17], [sflag:$0x1] =	stream.linear.gather [hbm4b:s6+s3], $0x80, $0x38;
	[tilespmem:$0x1BAC0] =	vst v63  }
0x32: {  	s14 =	rddreg [dreg:$0x4]  }
0x33: {  	[tilespmem:s18], [sflag:$0x2] =	stream.linear.gather [hbm4b:s14+s3], $0x80, $0x38;
	[tilespmem:$0x1BAC0] =	vst v63  }
0x34: {  	s15 =	rddreg [dreg:$0x5]  }
0x35: {  	[tilespmem:s19], [sflag:$0x3] =	stream.linear.gather [hbm4b:s15+s3], $0x80, $0x38;
	[tilespmem:$0x1BAC0] =	vst v63  }
0x36: {  	s16 =	rddreg [dreg:$0x6]  }
0x37: {  	[tilespmem:s20], [sflag:$0x4] =	stream.linear.gather [hbm4b:s16+s3], $0x80, $0x38;
	[tilespmem:$0x1BAC0] =	vst v63  }
0x38: {  	_ =	swait.ge [sflag:s21], $0x80  }
0x39: {  	[sflag:s21] =	ssyncset.done $0x0;
	s6 =	rddreg [dreg:$0x8]  }
0x3a: {  	[sflag:s21] =	ssyncadd.s32 $0xFFFFFF80;
	s7 =	sshrl.u32 @p0 s6, $0x3;
	s6 =	simm.s32 @p0 $0x1FC9  }
0x3b: {  	[tilespmem:s23], [sflag:$0x5] =	stream.indirect.gather [hbm4b:s4+s22], $0x80, s17, s22, $0xb8;
	[tilespmem:$0x1BAC0] =	vst v63  }
0x3c: {  	[spmem:s7], [sflag:s6] =	dma.local @p0 [hbm:s5], $0x2080  }
0x3d: {  	s6 =	simm.s32 @p0 $0x9  }
0x3e: {  	_ =	swait.ge @p0 [sflag:s6], $0x2080  }
0x3f: {  	s8 =	stileid.u32;
	[sflag:s6] =	ssyncset.done @p0 $0x0  }
0x40: {  	s8 =	sshll.u32 @!p0 s8, $0x6;
	[sflag:s6] =	ssyncadd.s32 @p0 $0xFFFFDF80;
	s6 =	rddreg [dreg:$0x7]  }
0x41: {  	s8 =	sor.u32 @!p0 $0x1C09, s8;
	s9 =	sshrl.u32 @!p0 s6, $0x3;
	s6 =	simm.s32 @!p0 $0x9  }
0x42: {  	[spmem:s9], [sflag:s8] =	dma.local @!p0 [hbm:s5], $0x2780  }
.Ltmp2:
0x43: {  	_ =	swait.ge @!p0 [sflag:s6], $0x2780;
	(pc) =	sbr.rel .LBB2_2-.Ltmp2, $4  }
0x44: {  	[sflag:s6] =	ssyncset.done @!p0 $0x0  }
0x45: {  	[sflag:s6] =	ssyncadd.s32 @!p0 $0xFFFFD880  }
0x46: {  	[bflag:$0x0] =	sbarrier.arrive $0xFFFF  }
0x47: {  	s12 =	simm.s32 $0x0;
	s15 =	smov.u32 s11;
	s16 =	smov.u32 s10  }
.LBB2_8:
0x48: {  	p1 =	seq.s32 s12, $0x4F  }
0x49: {  	s6 =	simm.s32 @!p1 $0x7  }
0x4a: {  	_ =	swait.ge @!p1 [sflag:s6], $0x4000  }
0x4b: {  	[sflag:s6] =	ssyncset.done @!p1 $0x0  }
0x4c: {  	s13 =	simm.s32 @!p1 $0x139C0;
	[sflag:s6] =	ssyncadd.s32 @!p1 $0xFFFFC000;
	s6 =	simm.s32 @!p1 $0x0  }
0x4d: {  	[tilespmem:s13], [sflag:$0x3] =	stream.linear.gather @!p1 [hbm4b:s16+s6], $0x80, $0x38;
	[tilespmem:$0x1BAC0] =	vst v63  }
0x4e: {  	s6 =	simm.s32 @!p1 $0x1  }
0x4f: {  	_ =	swait.ge @!p1 [sflag:s6], $0x80  }
0x50: {  	s14 =	simm.s32 @!p1 $0x13AC0;
	[sflag:s6] =	ssyncset.done @!p1 $0x0  }
0x51: {  	s13 =	simm.s32 @!p1 $0x138C0;
	[sflag:s6] =	ssyncadd.s32 @!p1 $0xFFFFFF80;
	s6 =	simm.s32 @!p1 $0x80  }
0x52: {  	[tilespmem:s14], [sflag:$0x5] =	stream.indirect.gather @!p1 [hbm4b:s4+s6], $0x80, s13, s6, $0xb8;
	[tilespmem:$0x1BAC0] =	vst v63  }
0x53: {  	_ =	swait.ge [sflag:s24], $0x4000  }
0x54: {  	[sflag:s24] =	ssyncset.done $0x0  }
0x55: {  	[sflag:s24] =	ssyncadd.s32 $0xFFFFC000  }
0x56: {  	_ =	swait.ge [sflag:s25], $0x80  }
0x57: {  	[sflag:s25] =	ssyncset.done $0x0  }
0x58: {  	p1 =	sgt.u32 s12, $0x4D;
	[sflag:s25] =	ssyncadd.s32 $0xFFFFFF80  }
0x59: {  	[spmem:s1] =	stream.indirect.scatter.add.f32 [tilespmem:s26], [sflag:$0x8], $0x80, s20, s22, $0xb8;
	[tilespmem:$0x1BAC0] =	vst v63  }
0x5a: {  	s6 =	simm.s32 @!p1 $0x0;
	s13 =	simm.s32 @!p1 $0x13940  }
0x5b: {  	[tilespmem:s13], [sflag:$0x2] =	stream.linear.gather @!p1 [hbm4b:s15+s6], $0x80, $0x38;
	[tilespmem:$0x1BAC0] =	vst v63  }
.LBB2_9:
0x5c: {  	s12 =	sadd.s32 $0x1, s12  }
0x5d: {  	p1 =	sne.s32 s12, $0x50  }
.Ltmp3:
0x5e: {  	_ = 	snop;
	(pc) =	sbr.rel @!p1 .LBB2_10-.Ltmp3, $2  }
0x5f: {  	_ =	sdelay $0x2  }
0x60: {  	s15 =	sadd.s32 $0x10, s15;
	s16 =	sadd.s32 $0x10, s16  }
.LBB2_2:
0x61: {  	s6 =	sand.u32 $0x1, s12  }
0x62: {  	p1 =	seq.s32 s6, $0x1  }
.Ltmp4:
0x63: {  	_ = 	snop;
	(pc) =	sbr.rel @p1 .LBB2_8-.Ltmp4, $1  }
0x64: {  	_ =	sdelay $0x3  }
0x65: {  	p1 =	seq.s32 s12, $0x0  }
.Ltmp5:
0x66: {  	_ = 	snop;
	(pc) =	sbr.rel @p1 .LBB2_6-.Ltmp5, $1  }
0x67: {  	_ =	sdelay $0x3  }
0x68: {  	p1 =	seq.s32 s12, $0x4F  }
.Ltmp6:
0x69: {  	_ = 	snop;
	(pc) =	sbr.rel @p1 .LBB2_7-.Ltmp6, $1  }
0x6a: {  	_ =	sdelay $0x3  }
0x6b: {  	_ =	swait.ge [sflag:s29], $0x4000  }
0x6c: {  	[sflag:s29] =	ssyncset.done $0x0  }
0x6d: {  	[sflag:s29] =	ssyncadd.s32 $0xFFFFC000  }
0x6e: {  	[tilespmem:s20], [sflag:$0x4] =	stream.linear.gather [hbm4b:s16+s3], $0x80, $0x38;
	[tilespmem:$0x1BAC0] =	vst v63  }
.LBB2_6:
0x6f: {  	_ =	swait.ge [sflag:s30], $0x80  }
0x70: {  	[sflag:s30] =	ssyncset.done $0x0  }
0x71: {  	[sflag:s30] =	ssyncadd.s32 $0xFFFFFF80  }
0x72: {  	[tilespmem:s26], [sflag:$0x6] =	stream.indirect.gather [hbm4b:s4+s22], $0x80, s18, s22, $0xb8;
	[tilespmem:$0x1BAC0] =	vst v63  }
.LBB2_7:
0x73: {  	_ =	swait.ge [sflag:s31], $0x4000  }
0x74: {  	[sflag:s31] =	ssyncset.done $0x0  }
0x75: {  	[sflag:s31] =	ssyncadd.s32 $0xFFFFC000  }
0x76: {  	_ =	swait.ge [sflag:s0], $0x80  }
0x77: {  	[sflag:s0] =	ssyncset.done $0x0  }
0x78: {  	p1 =	sgt.u32 s12, $0x4D;
	[sflag:s0] =	ssyncadd.s32 $0xFFFFFF80  }
0x79: {  	[spmem:s1] =	stream.indirect.scatter.add.f32 [tilespmem:s23], [sflag:$0x7], $0x80, s19, s22, $0xb8;
	[tilespmem:$0x1BAC0] =	vst v63  }
0x7a: {  	s13 =	simm.s32 @!p1 $0x0;
	s14 =	simm.s32 @!p1 $0x138C0  }
0x7b: {  	[tilespmem:s14], [sflag:$0x1] =	stream.linear.gather @!p1 [hbm4b:s15+s13], $0x80, $0x38;
	[tilespmem:$0x1BAC0] =	vst v63  }
0x7c: {  	p1 =	seq.s32 s6, $0x0  }
.Ltmp7:
0x7d: {  	_ = 	snop;
	(pc) =	sbr.rel @p1 .LBB2_9-.Ltmp7, $4  }
.Ltmp8:
0x7e: {  	_ = 	snop;
	(pc) =	sbr.rel @!p1 .LBB2_8-.Ltmp8, $4  }
0x7f: {  	_ = 	snop  }
0x80: {  	_ = 	snop  }
0x81: {  	_ = 	snop  }
0x82: {  	_ = 	snop  }
.LBB2_11:
0x83: {  	_ =	sfence.sel $0x180000  }
0x84: {  	[bflag:$0x0] =	sbarrier.arrive $0xFFFF  }
0x85: {  	_ =	strace $0x90000047  }
0x86: {  	s0 =	stileid.u32;
	[bflag:$0x2] =	sbarrier.arrive $0xFFFF  }
0x87: {  	p0 =	sne.s32 s0, $0x0;
	s0 =	rddreg [dreg:$0x2]  }
0x88: {  	s0 =	sadd.s32 @!p0 $0x100000, s0  }
0x89: {  	[sflag:s0] =	ssyncadd.tile.s32 @!p0 $0x1;
	_ =	shalt  }
.Lfunc_end2:
_tile_overlayer_lowered:
.L_overlay_start_2:
0x8a: {  	(tag) =	ssettag $0x2  }
0x8b: {  	s0 =	rddreg [dreg:$0x0];
	s2 =	stileid.u32  }
0x8c: {  	s1 =	rddreg [dreg:$0x1];
	p0 =	sne.s32 s2, $0x0  }
0x8d: {  	s3 =	rddreg [dreg:$0x2];
	[bflag:$0x3] =	sbarrier.arrive $0xFFFF;
	s2 =	simm.s32 @!p0 $0x1C09  }
0x8e: {  	[timem:s3], [sflag:s2] =	dma.local @!p0 [hbm:s0], s1  }
0x8f: {  	s0 =	simm.s32 @!p0 $0x9  }
0x90: {  	_ =	swait.ge @!p0 [sflag:s0], s1  }
0x91: {  	s1 =	ssub.s32 @!p0 $0x0, s1;
	[sflag:s0] =	ssyncset.done @!p0 $0x0  }
0x92: {  	[sflag:s0] =	ssyncadd.s32 @!p0 s1  }
0x93: {  	[bflag:$0x3] =	sbarrier.arrive $0xFFFF  }
0x94: {  	_ =	shalt  }

</sc_bundles>
